<compile_context>
chip_gen: v7x
topology: tpu7x:2x2x1
jax: 0.10.2.dev20260603
libtpu: 0.0.44.dev20260713+nightly
codegen_flags: <defaults>
</compile_context>

<pallas_src>
import functools

import jax
import jax.numpy as jnp
from jax import lax
from jax.experimental import pallas as pl
from jax.experimental.pallas import tpu as pltpu
from jax.experimental.pallas import tpu_sc as plsc

_NC = 2
_NS = 16
_NW = _NC * _NS
_L = 16


@functools.lru_cache(maxsize=None)
def _build_sc_call(B, N, M):
    E = B * M
    NT = B * N
    W = 2 * E
    WPW = W // _NW
    EPW = E // _NW
    GW = 2 * M
    assert W % _NW == 0 and WPW % _L == 0 and WPW % 8 == 0
    assert E % _NW == 0 and EPW % _L == 0 and EPW % 8 == 0
    assert GW % _L == 0 and M % _L == 0
    NPC = 320
    NREM = NT - NPC * (_NW - 1)
    assert 0 < NREM <= NPC and NPC % _L == 0 and NREM % 8 == 0
    NVEC = NPC // _L
    LENB = ((B + _L - 1) // _L) * _L

    mesh = plsc.VectorSubcoreMesh(core_axis_name="c", subcore_axis_name="s")

    @functools.partial(
        pl.kernel,
        mesh=mesh,
        compiler_params=pltpu.CompilerParams(
            needs_layout_passes=False, use_tc_tiling_on_sc=False),
        out_type=[
            jax.ShapeDtypeStruct((W,), jnp.int32),
            jax.ShapeDtypeStruct((E,), jnp.int32),
            jax.ShapeDtypeStruct((E,), jnp.int32),
            jax.ShapeDtypeStruct((NT,), jnp.int32),
            jax.ShapeDtypeStruct((NT,), jnp.int32),
            jax.ShapeDtypeStruct((B,), jnp.int32),
            jax.ShapeDtypeStruct((B,), jnp.int32),
        ],
        scratch_types=[
            pltpu.VMEM((WPW,), jnp.int32),
            pltpu.VMEM((WPW,), jnp.int32),
            pltpu.VMEM((EPW,), jnp.int32),
            pltpu.VMEM((EPW,), jnp.int32),
            pltpu.VMEM((NPC,), jnp.int32),
            pltpu.VMEM((NPC,), jnp.int32),
            pltpu.VMEM((LENB,), jnp.int32),
            pltpu.SemaphoreType.DMA,
            pltpu.SemaphoreType.DMA,
            pltpu.SemaphoreType.DMA,
        ],
    )
    def sc_fn(y_hbm, z_hbm, gie_hbm, eid_hbm, gin_hbm, nid_hbm,
              nl_hbm, el_hbm, inb, zb, gieb, eidb, gnb, nnb, lenb,
              sem_in, sem_small, sem_out):
        wid = lax.axis_index("s") * _NC + lax.axis_index("c")
        iota = lax.iota(jnp.int32, _L)

        wbase = wid * WPW
        cin = pltpu.async_copy(y_hbm.at[pl.ds(wbase, WPW)], inb, sem_in)

        ebase = wid * EPW

        IDU = 5
        assert EPW % (_L * IDU) == 0

        def id_body(j, _):
            for u in range(IDU):
                p = (j * IDU + u) * _L
                e0 = ebase + p
                g = e0 // M
                gieb[pl.ds(p, _L)] = jnp.broadcast_to(g, (_L,))
                eidb[pl.ds(p, _L)] = (e0 - g * M) + iota
            return 0

        lax.fori_loop(0, EPW // (_L * IDU), id_body, 0)
        cid0 = pltpu.async_copy(gieb, gie_hbm.at[pl.ds(ebase, EPW)], sem_out)
        cid1 = pltpu.async_copy(eidb, eid_hbm.at[pl.ds(ebase, EPW)], sem_out)

        nbase = wid * NPC

        def node_body(j, _):
            v = (nbase + j * _L) + iota
            gg = v // N
            gnb[pl.ds(j * _L, _L)] = gg
            nnb[pl.ds(j * _L, _L)] = v - gg * N
            return 0

        lax.fori_loop(0, NVEC, node_body, 0)

        @pl.when(wid < _NW - 1)
        def _node_full():
            c0 = pltpu.async_copy(gnb, gin_hbm.at[pl.ds(nbase, NPC)],
                                  sem_small)
            c1 = pltpu.async_copy(nnb, nid_hbm.at[pl.ds(nbase, NPC)],
                                  sem_small)
            c0.wait()
            c1.wait()

        @pl.when(wid == _NW - 1)
        def _node_rem():
            c0 = pltpu.async_copy(gnb.at[pl.ds(0, NREM)],
                                  gin_hbm.at[pl.ds(nbase, NREM)], sem_small)
            c1 = pltpu.async_copy(nnb.at[pl.ds(0, NREM)],
                                  nid_hbm.at[pl.ds(nbase, NREM)], sem_small)
            c0.wait()
            c1.wait()

        @pl.when(wid == 0)
        def _node_len():
            for j in range(LENB // _L):
                lenb[pl.ds(j * _L, _L)] = jnp.full((_L,), N, jnp.int32)
            pltpu.async_copy(lenb.at[pl.ds(0, B)], nl_hbm, sem_small).wait()

        @pl.when(wid == 1)
        def _edge_len():
            for j in range(LENB // _L):
                lenb[pl.ds(j * _L, _L)] = jnp.full((_L,), M, jnp.int32)
            pltpu.async_copy(lenb.at[pl.ds(0, B)], el_hbm, sem_small).wait()

        cin.wait()

        ADU = 5
        assert WPW % (_L * ADU) == 0

        def add_body(j, _):
            for u in range(ADU):
                p = (j * ADU + u) * _L
                off = ((wbase + p) // GW) * N
                zb[pl.ds(p, _L)] = inb[pl.ds(p, _L)] + off
            return 0

        lax.fori_loop(0, WPW // (_L * ADU), add_body, 0)

        cz = pltpu.async_copy(zb, z_hbm.at[pl.ds(wbase, WPW)], sem_out)
        cid0.wait()
        cid1.wait()
        cz.wait()

    return sc_fn


def kernel(nodes, edge_indices):
    B, N, F = nodes.shape
    _, M, _ = edge_indices.shape
    E = B * M
    idt = edge_indices.dtype

    nodes_flatten = nodes.reshape(B * N, F)

    y = (edge_indices.astype(jnp.int32)
         .reshape(B, M // 128, 128, 2)
         .transpose(0, 1, 3, 2)
         .reshape(-1))

    sc_fn = _build_sc_call(B, N, M)
    z, gie, eid, gin, nid, nl, el = sc_fn(y)

    disjoint_indices = (z.reshape(B * M // 128, 2, 128)
                        .transpose(1, 0, 2)
                        .reshape(2, E)
                        .astype(idt))
    return (nodes_flatten, disjoint_indices, gin, gie, nid, eid, nl, el)

# --- scband reference (transcript-rebuilt; emitter-appended) ---
"""Pipeline reference for scband-cast-ragged-indices-to-disjoint-16810501996909 (READ-ONLY COPY).

The authoritative reference and input builder live on the scoring server;
editing this copy changes nothing except your own understanding.
"""

import jax, jax.numpy as jnp
import numpy as np


def setup_inputs(seed: int = 0) -> dict:
    key = jax.random.key(seed)
    k1, k2 = jax.random.split(key)
    # Ragged tensors are emulated with uniform row lengths (a valid ragged instance):
    # nodes: (batch=100, N=100, F=128), edge_indices: (batch=100, M=3200, 2)
    nodes = jax.random.normal(k1, (100, 100, 128), dtype=jnp.float32)
    edge_indices = jax.random.randint(k2, (100, 3200, 2), 0, 100).astype(jnp.int64)
    return {"nodes": nodes, "edge_indices": edge_indices}


def reference(nodes, edge_indices):
    # Faithful translation of CastRaggedIndicesToDisjoint.call with
    # reverse_indices=False, dtype_batch='int64', global_axis_indices=0 (kgcnn default).
    B, N, F = nodes.shape
    _, M, _ = edge_indices.shape
    idx_dtype = edge_indices.dtype

    # decompose_ragged_tensor(nodes): values, graph_id, item_id, row_lengths
    nodes_flatten = nodes.reshape(B * N, F)
    graph_id_node = jnp.repeat(jnp.arange(B, dtype=jnp.int64), N)
    node_id = jnp.tile(jnp.arange(N, dtype=jnp.int64), B)
    node_len = jnp.full((B,), N, dtype=jnp.int64)

    # decompose_ragged_tensor(edge_indices)
    edge_indices_flatten = edge_indices.reshape(B * M, 2)
    graph_id_edge = jnp.repeat(jnp.arange(B, dtype=jnp.int64), M)
    edge_id = jnp.tile(jnp.arange(M, dtype=jnp.int64), B)
    edge_len = jnp.full((B,), M, dtype=jnp.int64)

    # node_splits = pad(cumsum(node_len), [[1, 0]])
    node_splits = jnp.pad(jnp.cumsum(node_len), (1, 0))
    # offset_edge_indices = expand_dims(repeat(node_splits[:-1], edge_len), -1)
    offset_edge_indices = jnp.repeat(node_splits[:-1], edge_len,
                                     total_repeat_length=B * M)[:, None]
    offset_edge_indices = jnp.broadcast_to(offset_edge_indices, edge_indices_flatten.shape)
    disjoint_indices = edge_indices_flatten + offset_edge_indices.astype(idx_dtype)
    # global_axis_indices == 0 -> transpose to (2, total_edges)
    disjoint_indices = jnp.transpose(disjoint_indices)
    # reverse_indices is False -> no flip

    return (nodes_flatten, disjoint_indices, graph_id_node, graph_id_edge,
            node_id, edge_id, node_len, edge_len)

if __name__ == "__main__":
    import jax
    _d = setup_inputs()
    print(jax.jit(kernel)(*tuple(_d.values())))

</pallas_src>

<mosaic_0001>
#map = affine_map<(d0, d1) -> (0)>
module attributes {stable_mosaic.version = 14 : i64} {
  func.func @sc_fn(%arg0: i32, %arg1: i32, %arg2: memref<640000xi32, #tpu.memory_space<hbm>>, %arg3: memref<640000xi32, #tpu.memory_space<hbm>>, %arg4: memref<320000xi32, #tpu.memory_space<hbm>>, %arg5: memref<320000xi32, #tpu.memory_space<hbm>>, %arg6: memref<10000xi32, #tpu.memory_space<hbm>>, %arg7: memref<10000xi32, #tpu.memory_space<hbm>>, %arg8: memref<100xi32, #tpu.memory_space<hbm>>, %arg9: memref<100xi32, #tpu.memory_space<hbm>>, %arg10: memref<20000xi32, #tpu.memory_space<vmem>>, %arg11: memref<20000xi32, #tpu.memory_space<vmem>>, %arg12: memref<10000xi32, #tpu.memory_space<vmem>>, %arg13: memref<10000xi32, #tpu.memory_space<vmem>>, %arg14: memref<320xi32, #tpu.memory_space<vmem>>, %arg15: memref<320xi32, #tpu.memory_space<vmem>>, %arg16: memref<112xi32, #tpu.memory_space<vmem>>, %arg17: memref<!tpu.dma_semaphore, #tpu.memory_space<semaphore_mem>>, %arg18: memref<!tpu.dma_semaphore, #tpu.memory_space<semaphore_mem>>, %arg19: memref<!tpu.dma_semaphore, #tpu.memory_space<semaphore_mem>>) attributes {dimension_semantics = [#tpu.dimension_semantics<core_parallel>, #tpu.dimension_semantics<subcore_parallel>], iteration_bounds = array<i64: 2, 16>, scalar_prefetch = 0 : i64, scratch_operands = 10 : i64, tpu.core_type = #tpu.core_type<sc_vector_subcore>, window_params = [{transform_indices = #map}, {transform_indices = #map}, {transform_indices = #map}, {transform_indices = #map}, {transform_indices = #map}, {transform_indices = #map}, {transform_indices = #map}, {transform_indices = #map}]} {
    %mul3A = arith.constant 2 : i32
    %mul3A_0 = arith.muli %arg1, %mul3A : i32
    %add3A = arith.addi %mul3A_0, %arg0 : i32
    %iota3A = tpu.iota {dimensions = array<i32: 0>} : vector<16xi32>
    %mul3A_1 = arith.constant 20000 : i32
    %mul3A_2 = arith.muli %add3A, %mul3A_1 : i32
    %dma_start3A = tpu.memref_slice %arg2[%mul3A_2] : memref<640000xi32, #tpu.memory_space<hbm>> -> memref<20000xi32, #tpu.memory_space<hbm>>
    %dma_start3A_3 = tpu.memref_slice %arg2[%mul3A_2] : memref<640000xi32, #tpu.memory_space<hbm>> -> memref<20000xi32, #tpu.memory_space<hbm>>
    tpu.enqueue_dma source(%dma_start3A_3 : memref<20000xi32, #tpu.memory_space<hbm>>) target(%arg10 : memref<20000xi32, #tpu.memory_space<vmem>>) target_semaphore(%arg17 : memref<!tpu.dma_semaphore, #tpu.memory_space<semaphore_mem>>)
    %mul3A_4 = arith.constant 10000 : i32
    %mul3A_5 = arith.muli %add3A, %mul3A_4 : i32
    %scan3A = arith.constant 0 : i32
    %scan3A_6 = arith.constant 0 : i32
    %scan3A_7 = arith.constant 125 : i32
    %scan3A_8 = arith.addi %scan3A_6, %scan3A_7 : i32
    %scan3A_9 = arith.constant 1 : i32
    %scan3A_10 = scf.for %scan3A_57 = %scan3A_6 to %scan3A_8 step %scan3A_9 iter_args(%scan3A_58 = %scan3A) -> (i32)  : i32 {
      %mul3A_59 = arith.constant 5 : i32
      %mul3A_60 = arith.muli %scan3A_57, %mul3A_59 : i32
      %add3A_61 = arith.constant 0 : i32
      %add3A_62 = arith.addi %mul3A_60, %add3A_61 : i32
      %mul3A_63 = arith.constant 16 : i32
      %mul3A_64 = arith.muli %add3A_62, %mul3A_63 : i32
      %add3A_65 = arith.addi %mul3A_5, %mul3A_64 : i32
      %jit3A = arith.constant 3200 : i32
      %div3A = arith.divsi %add3A_65, %jit3A : i32
      %sign3A = arith.constant 0 : i32
      %sign3A_66 = arith.cmpi sgt, %add3A_65, %sign3A : i32
      %sign3A_67 = arith.extui %sign3A_66 : i1 to i32
      %sign3A_68 = arith.constant 0 : i32
      %sign3A_69 = arith.cmpi slt, %add3A_65, %sign3A_68 : i32
      %sign3A_70 = arith.extui %sign3A_69 : i1 to i32
      %sign3A_71 = arith.subi %sign3A_67, %sign3A_70 : i32
      %sign3A_72 = arith.constant 0 : i32
      %sign3A_73 = arith.cmpi sgt, %jit3A, %sign3A_72 : i32
      %sign3A_74 = arith.extui %sign3A_73 : i1 to i32
      %sign3A_75 = arith.constant 0 : i32
      %sign3A_76 = arith.cmpi slt, %jit3A, %sign3A_75 : i32
      %sign3A_77 = arith.extui %sign3A_76 : i1 to i32
      %sign3A_78 = arith.subi %sign3A_74, %sign3A_77 : i32
      %ne3A = arith.cmpi ne, %sign3A_71, %sign3A_78 : i32
      %rem3A = arith.remsi %add3A_65, %jit3A : i32
      %ne3A_79 = arith.constant 0 : i32
      %ne3A_80 = arith.cmpi ne, %rem3A, %ne3A_79 : i32
      %and3A = arith.andi %ne3A, %ne3A_80 : i1
      %sub3A = arith.constant 1 : i32
      %sub3A_81 = arith.subi %div3A, %sub3A : i32
      %select_n3A = arith.select %and3A, %sub3A_81, %div3A : i32
      %broadcast_in_dim3A = vector.broadcast %select_n3A : i32 to vector<16xi32>
      %swap3A = arith.index_cast %mul3A_64 : i32 to index
      %swap3A_82 = tpu.vector_load %arg12[%swap3A] {strides = array<i32>} : memref<10000xi32, #tpu.memory_space<vmem>>, vector<16xi32>,
      tpu.vector_store %arg12[%swap3A], %broadcast_in_dim3A {strides = array<i32>} : memref<10000xi32, #tpu.memory_space<vmem>>, vector<16xi32>,
      %mul3A_83 = arith.constant 3200 : i32
      %mul3A_84 = arith.muli %select_n3A, %mul3A_83 : i32
      %sub3A_85 = arith.subi %add3A_65, %mul3A_84 : i32
      %add3A_86 = vector.broadcast %sub3A_85 : i32 to vector<16xi32>
      %add3A_87 = arith.addi %add3A_86, %iota3A : vector<16xi32>
      %swap3A_88 = arith.index_cast %mul3A_64 : i32 to index
      %swap3A_89 = tpu.vector_load %arg13[%swap3A_88] {strides = array<i32>} : memref<10000xi32, #tpu.memory_space<vmem>>, vector<16xi32>,
      tpu.vector_store %arg13[%swap3A_88], %add3A_87 {strides = array<i32>} : memref<10000xi32, #tpu.memory_space<vmem>>, vector<16xi32>,
      %mul3A_90 = arith.constant 5 : i32
      %mul3A_91 = arith.muli %scan3A_57, %mul3A_90 : i32
      %add3A_92 = arith.constant 1 : i32
      %add3A_93 = arith.addi %mul3A_91, %add3A_92 : i32
      %mul3A_94 = arith.constant 16 : i32
      %mul3A_95 = arith.muli %add3A_93, %mul3A_94 : i32
      %add3A_96 = arith.addi %mul3A_5, %mul3A_95 : i32
      %jit3A_97 = arith.constant 3200 : i32
      %div3A_98 = arith.divsi %add3A_96, %jit3A_97 : i32
      %sign3A_99 = arith.constant 0 : i32
      %sign3A_100 = arith.cmpi sgt, %add3A_96, %sign3A_99 : i32
      %sign3A_101 = arith.extui %sign3A_100 : i1 to i32
      %sign3A_102 = arith.constant 0 : i32
      %sign3A_103 = arith.cmpi slt, %add3A_96, %sign3A_102 : i32
      %sign3A_104 = arith.extui %sign3A_103 : i1 to i32
      %sign3A_105 = arith.subi %sign3A_101, %sign3A_104 : i32
      %sign3A_106 = arith.constant 0 : i32
      %sign3A_107 = arith.cmpi sgt, %jit3A_97, %sign3A_106 : i32
      %sign3A_108 = arith.extui %sign3A_107 : i1 to i32
      %sign3A_109 = arith.constant 0 : i32
      %sign3A_110 = arith.cmpi slt, %jit3A_97, %sign3A_109 : i32
      %sign3A_111 = arith.extui %sign3A_110 : i1 to i32
      %sign3A_112 = arith.subi %sign3A_108, %sign3A_111 : i32
      %ne3A_113 = arith.cmpi ne, %sign3A_105, %sign3A_112 : i32
      %rem3A_114 = arith.remsi %add3A_96, %jit3A_97 : i32
      %ne3A_115 = arith.constant 0 : i32
      %ne3A_116 = arith.cmpi ne, %rem3A_114, %ne3A_115 : i32
      %and3A_117 = arith.andi %ne3A_113, %ne3A_116 : i1
      %sub3A_118 = arith.constant 1 : i32
      %sub3A_119 = arith.subi %div3A_98, %sub3A_118 : i32
      %select_n3A_120 = arith.select %and3A_117, %sub3A_119, %div3A_98 : i32
      %broadcast_in_dim3A_121 = vector.broadcast %select_n3A_120 : i32 to vector<16xi32>
      %swap3A_122 = arith.index_cast %mul3A_95 : i32 to index
      %swap3A_123 = tpu.vector_load %arg12[%swap3A_122] {strides = array<i32>} : memref<10000xi32, #tpu.memory_space<vmem>>, vector<16xi32>,
      tpu.vector_store %arg12[%swap3A_122], %broadcast_in_dim3A_121 {strides = array<i32>} : memref<10000xi32, #tpu.memory_space<vmem>>, vector<16xi32>,
      %mul3A_124 = arith.constant 3200 : i32
      %mul3A_125 = arith.muli %select_n3A_120, %mul3A_124 : i32
      %sub3A_126 = arith.subi %add3A_96, %mul3A_125 : i32
      %add3A_127 = vector.broadcast %sub3A_126 : i32 to vector<16xi32>
      %add3A_128 = arith.addi %add3A_127, %iota3A : vector<16xi32>
      %swap3A_129 = arith.index_cast %mul3A_95 : i32 to index
      %swap3A_130 = tpu.vector_load %arg13[%swap3A_129] {strides = array<i32>} : memref<10000xi32, #tpu.memory_space<vmem>>, vector<16xi32>,
      tpu.vector_store %arg13[%swap3A_129], %add3A_128 {strides = array<i32>} : memref<10000xi32, #tpu.memory_space<vmem>>, vector<16xi32>,
      %mul3A_131 = arith.constant 5 : i32
      %mul3A_132 = arith.muli %scan3A_57, %mul3A_131 : i32
      %add3A_133 = arith.constant 2 : i32
      %add3A_134 = arith.addi %mul3A_132, %add3A_133 : i32
      %mul3A_135 = arith.constant 16 : i32
      %mul3A_136 = arith.muli %add3A_134, %mul3A_135 : i32
      %add3A_137 = arith.addi %mul3A_5, %mul3A_136 : i32
      %jit3A_138 = arith.constant 3200 : i32
      %div3A_139 = arith.divsi %add3A_137, %jit3A_138 : i32
      %sign3A_140 = arith.constant 0 : i32
      %sign3A_141 = arith.cmpi sgt, %add3A_137, %sign3A_140 : i32
      %sign3A_142 = arith.extui %sign3A_141 : i1 to i32
      %sign3A_143 = arith.constant 0 : i32
      %sign3A_144 = arith.cmpi slt, %add3A_137, %sign3A_143 : i32
      %sign3A_145 = arith.extui %sign3A_144 : i1 to i32
      %sign3A_146 = arith.subi %sign3A_142, %sign3A_145 : i32
      %sign3A_147 = arith.constant 0 : i32
      %sign3A_148 = arith.cmpi sgt, %jit3A_138, %sign3A_147 : i32
      %sign3A_149 = arith.extui %sign3A_148 : i1 to i32
      %sign3A_150 = arith.constant 0 : i32
      %sign3A_151 = arith.cmpi slt, %jit3A_138, %sign3A_150 : i32
      %sign3A_152 = arith.extui %sign3A_151 : i1 to i32
      %sign3A_153 = arith.subi %sign3A_149, %sign3A_152 : i32
      %ne3A_154 = arith.cmpi ne, %sign3A_146, %sign3A_153 : i32
      %rem3A_155 = arith.remsi %add3A_137, %jit3A_138 : i32
      %ne3A_156 = arith.constant 0 : i32
      %ne3A_157 = arith.cmpi ne, %rem3A_155, %ne3A_156 : i32
      %and3A_158 = arith.andi %ne3A_154, %ne3A_157 : i1
      %sub3A_159 = arith.constant 1 : i32
      %sub3A_160 = arith.subi %div3A_139, %sub3A_159 : i32
      %select_n3A_161 = arith.select %and3A_158, %sub3A_160, %div3A_139 : i32
      %broadcast_in_dim3A_162 = vector.broadcast %select_n3A_161 : i32 to vector<16xi32>
      %swap3A_163 = arith.index_cast %mul3A_136 : i32 to index
      %swap3A_164 = tpu.vector_load %arg12[%swap3A_163] {strides = array<i32>} : memref<10000xi32, #tpu.memory_space<vmem>>, vector<16xi32>,
      tpu.vector_store %arg12[%swap3A_163], %broadcast_in_dim3A_162 {strides = array<i32>} : memref<10000xi32, #tpu.memory_space<vmem>>, vector<16xi32>,
      %mul3A_165 = arith.constant 3200 : i32
      %mul3A_166 = arith.muli %select_n3A_161, %mul3A_165 : i32
      %sub3A_167 = arith.subi %add3A_137, %mul3A_166 : i32
      %add3A_168 = vector.broadcast %sub3A_167 : i32 to vector<16xi32>
      %add3A_169 = arith.addi %add3A_168, %iota3A : vector<16xi32>
      %swap3A_170 = arith.index_cast %mul3A_136 : i32 to index
      %swap3A_171 = tpu.vector_load %arg13[%swap3A_170] {strides = array<i32>} : memref<10000xi32, #tpu.memory_space<vmem>>, vector<16xi32>,
      tpu.vector_store %arg13[%swap3A_170], %add3A_169 {strides = array<i32>} : memref<10000xi32, #tpu.memory_space<vmem>>, vector<16xi32>,
      %mul3A_172 = arith.constant 5 : i32
      %mul3A_173 = arith.muli %scan3A_57, %mul3A_172 : i32
      %add3A_174 = arith.constant 3 : i32
      %add3A_175 = arith.addi %mul3A_173, %add3A_174 : i32
      %mul3A_176 = arith.constant 16 : i32
      %mul3A_177 = arith.muli %add3A_175, %mul3A_176 : i32
      %add3A_178 = arith.addi %mul3A_5, %mul3A_177 : i32
      %jit3A_179 = arith.constant 3200 : i32
      %div3A_180 = arith.divsi %add3A_178, %jit3A_179 : i32
      %sign3A_181 = arith.constant 0 : i32
      %sign3A_182 = arith.cmpi sgt, %add3A_178, %sign3A_181 : i32
      %sign3A_183 = arith.extui %sign3A_182 : i1 to i32
      %sign3A_184 = arith.constant 0 : i32
      %sign3A_185 = arith.cmpi slt, %add3A_178, %sign3A_184 : i32
      %sign3A_186 = arith.extui %sign3A_185 : i1 to i32
      %sign3A_187 = arith.subi %sign3A_183, %sign3A_186 : i32
      %sign3A_188 = arith.constant 0 : i32
      %sign3A_189 = arith.cmpi sgt, %jit3A_179, %sign3A_188 : i32
      %sign3A_190 = arith.extui %sign3A_189 : i1 to i32
      %sign3A_191 = arith.constant 0 : i32
      %sign3A_192 = arith.cmpi slt, %jit3A_179, %sign3A_191 : i32
      %sign3A_193 = arith.extui %sign3A_192 : i1 to i32
      %sign3A_194 = arith.subi %sign3A_190, %sign3A_193 : i32
      %ne3A_195 = arith.cmpi ne, %sign3A_187, %sign3A_194 : i32
      %rem3A_196 = arith.remsi %add3A_178, %jit3A_179 : i32
      %ne3A_197 = arith.constant 0 : i32
      %ne3A_198 = arith.cmpi ne, %rem3A_196, %ne3A_197 : i32
      %and3A_199 = arith.andi %ne3A_195, %ne3A_198 : i1
      %sub3A_200 = arith.constant 1 : i32
      %sub3A_201 = arith.subi %div3A_180, %sub3A_200 : i32
      %select_n3A_202 = arith.select %and3A_199, %sub3A_201, %div3A_180 : i32
      %broadcast_in_dim3A_203 = vector.broadcast %select_n3A_202 : i32 to vector<16xi32>
      %swap3A_204 = arith.index_cast %mul3A_177 : i32 to index
      %swap3A_205 = tpu.vector_load %arg12[%swap3A_204] {strides = array<i32>} : memref<10000xi32, #tpu.memory_space<vmem>>, vector<16xi32>,
      tpu.vector_store %arg12[%swap3A_204], %broadcast_in_dim3A_203 {strides = array<i32>} : memref<10000xi32, #tpu.memory_space<vmem>>, vector<16xi32>,
      %mul3A_206 = arith.constant 3200 : i32
      %mul3A_207 = arith.muli %select_n3A_202, %mul3A_206 : i32
      %sub3A_208 = arith.subi %add3A_178, %mul3A_207 : i32
      %add3A_209 = vector.broadcast %sub3A_208 : i32 to vector<16xi32>
      %add3A_210 = arith.addi %add3A_209, %iota3A : vector<16xi32>
      %swap3A_211 = arith.index_cast %mul3A_177 : i32 to index
      %swap3A_212 = tpu.vector_load %arg13[%swap3A_211] {strides = array<i32>} : memref<10000xi32, #tpu.memory_space<vmem>>, vector<16xi32>,
      tpu.vector_store %arg13[%swap3A_211], %add3A_210 {strides = array<i32>} : memref<10000xi32, #tpu.memory_space<vmem>>, vector<16xi32>,
      %mul3A_213 = arith.constant 5 : i32
      %mul3A_214 = arith.muli %scan3A_57, %mul3A_213 : i32
      %add3A_215 = arith.constant 4 : i32
      %add3A_216 = arith.addi %mul3A_214, %add3A_215 : i32
      %mul3A_217 = arith.constant 16 : i32
      %mul3A_218 = arith.muli %add3A_216, %mul3A_217 : i32
      %add3A_219 = arith.addi %mul3A_5, %mul3A_218 : i32
      %jit3A_220 = arith.constant 3200 : i32
      %div3A_221 = arith.divsi %add3A_219, %jit3A_220 : i32
      %sign3A_222 = arith.constant 0 : i32
      %sign3A_223 = arith.cmpi sgt, %add3A_219, %sign3A_222 : i32
      %sign3A_224 = arith.extui %sign3A_223 : i1 to i32
      %sign3A_225 = arith.constant 0 : i32
      %sign3A_226 = arith.cmpi slt, %add3A_219, %sign3A_225 : i32
      %sign3A_227 = arith.extui %sign3A_226 : i1 to i32
      %sign3A_228 = arith.subi %sign3A_224, %sign3A_227 : i32
      %sign3A_229 = arith.constant 0 : i32
      %sign3A_230 = arith.cmpi sgt, %jit3A_220, %sign3A_229 : i32
      %sign3A_231 = arith.extui %sign3A_230 : i1 to i32
      %sign3A_232 = arith.constant 0 : i32
      %sign3A_233 = arith.cmpi slt, %jit3A_220, %sign3A_232 : i32
      %sign3A_234 = arith.extui %sign3A_233 : i1 to i32
      %sign3A_235 = arith.subi %sign3A_231, %sign3A_234 : i32
      %ne3A_236 = arith.cmpi ne, %sign3A_228, %sign3A_235 : i32
      %rem3A_237 = arith.remsi %add3A_219, %jit3A_220 : i32
      %ne3A_238 = arith.constant 0 : i32
      %ne3A_239 = arith.cmpi ne, %rem3A_237, %ne3A_238 : i32
      %and3A_240 = arith.andi %ne3A_236, %ne3A_239 : i1
      %sub3A_241 = arith.constant 1 : i32
      %sub3A_242 = arith.subi %div3A_221, %sub3A_241 : i32
      %select_n3A_243 = arith.select %and3A_240, %sub3A_242, %div3A_221 : i32
      %broadcast_in_dim3A_244 = vector.broadcast %select_n3A_243 : i32 to vector<16xi32>
      %swap3A_245 = arith.index_cast %mul3A_218 : i32 to index
      %swap3A_246 = tpu.vector_load %arg12[%swap3A_245] {strides = array<i32>} : memref<10000xi32, #tpu.memory_space<vmem>>, vector<16xi32>,
      tpu.vector_store %arg12[%swap3A_245], %broadcast_in_dim3A_244 {strides = array<i32>} : memref<10000xi32, #tpu.memory_space<vmem>>, vector<16xi32>,
      %mul3A_247 = arith.constant 3200 : i32
      %mul3A_248 = arith.muli %select_n3A_243, %mul3A_247 : i32
      %sub3A_249 = arith.subi %add3A_219, %mul3A_248 : i32
      %add3A_250 = vector.broadcast %sub3A_249 : i32 to vector<16xi32>
      %add3A_251 = arith.addi %add3A_250, %iota3A : vector<16xi32>
      %swap3A_252 = arith.index_cast %mul3A_218 : i32 to index
      %swap3A_253 = tpu.vector_load %arg13[%swap3A_252] {strides = array<i32>} : memref<10000xi32, #tpu.memory_space<vmem>>, vector<16xi32>,
      tpu.vector_store %arg13[%swap3A_252], %add3A_251 {strides = array<i32>} : memref<10000xi32, #tpu.memory_space<vmem>>, vector<16xi32>,
      %scan3A_254 = arith.constant 0 : i32
      scf.yield %scan3A_254 : i32
    }
    %scan3A_11 = arith.constant 125 : i32
    %dma_start3A_12 = tpu.memref_slice %arg4[%mul3A_5] : memref<320000xi32, #tpu.memory_space<hbm>> -> memref<10000xi32, #tpu.memory_space<hbm>>
    %dma_start3A_13 = tpu.memref_slice %arg4[%mul3A_5] : memref<320000xi32, #tpu.memory_space<hbm>> -> memref<10000xi32, #tpu.memory_space<hbm>>
    tpu.enqueue_dma source(%arg12 : memref<10000xi32, #tpu.memory_space<vmem>>) target(%dma_start3A_13 : memref<10000xi32, #tpu.memory_space<hbm>>) target_semaphore(%arg19 : memref<!tpu.dma_semaphore, #tpu.memory_space<semaphore_mem>>)
    %dma_start3A_14 = tpu.memref_slice %arg5[%mul3A_5] : memref<320000xi32, #tpu.memory_space<hbm>> -> memref<10000xi32, #tpu.memory_space<hbm>>
    %dma_start3A_15 = tpu.memref_slice %arg5[%mul3A_5] : memref<320000xi32, #tpu.memory_space<hbm>> -> memref<10000xi32, #tpu.memory_space<hbm>>
    tpu.enqueue_dma source(%arg13 : memref<10000xi32, #tpu.memory_space<vmem>>) target(%dma_start3A_15 : memref<10000xi32, #tpu.memory_space<hbm>>) target_semaphore(%arg19 : memref<!tpu.dma_semaphore, #tpu.memory_space<semaphore_mem>>)
    %mul3A_16 = arith.constant 320 : i32
    %mul3A_17 = arith.muli %add3A, %mul3A_16 : i32
    %scan3A_18 = arith.constant 0 : i32
    %scan3A_19 = arith.constant 0 : i32
    %scan3A_20 = arith.constant 20 : i32
    %scan3A_21 = arith.addi %scan3A_19, %scan3A_20 : i32
    %scan3A_22 = arith.constant 1 : i32
    %scan3A_23 = scf.for %scan3A_57 = %scan3A_19 to %scan3A_21 step %scan3A_22 iter_args(%scan3A_58 = %scan3A_18) -> (i32)  : i32 {
      %mul3A_59 = arith.constant 16 : i32
      %mul3A_60 = arith.muli %scan3A_57, %mul3A_59 : i32
      %add3A_61 = arith.addi %mul3A_17, %mul3A_60 : i32
      %add3A_62 = vector.broadcast %add3A_61 : i32 to vector<16xi32>
      %add3A_63 = arith.addi %add3A_62, %iota3A : vector<16xi32>
      %jit3A = arith.constant 100 : i32
      %div3A = vector.broadcast %jit3A : i32 to vector<16xi32>
      %div3A_64 = arith.divsi %add3A_63, %div3A : vector<16xi32>
      %sign3A = arith.constant 0 : i32
      %sign3A_65 = vector.broadcast %sign3A : i32 to vector<16xi32>
      %sign3A_66 = arith.cmpi sgt, %add3A_63, %sign3A_65 : vector<16xi32>
      %sign3A_67 = arith.extui %sign3A_66 : vector<16xi1> to vector<16xi32>
      %sign3A_68 = arith.constant 0 : i32
      %sign3A_69 = vector.broadcast %sign3A_68 : i32 to vector<16xi32>
      %sign3A_70 = arith.cmpi slt, %add3A_63, %sign3A_69 : vector<16xi32>
      %sign3A_71 = arith.extui %sign3A_70 : vector<16xi1> to vector<16xi32>
      %sign3A_72 = arith.subi %sign3A_67, %sign3A_71 : vector<16xi32>
      %sign3A_73 = arith.constant 0 : i32
      %sign3A_74 = arith.cmpi sgt, %jit3A, %sign3A_73 : i32
      %sign3A_75 = arith.extui %sign3A_74 : i1 to i32
      %sign3A_76 = arith.constant 0 : i32
      %sign3A_77 = arith.cmpi slt, %jit3A, %sign3A_76 : i32
      %sign3A_78 = arith.extui %sign3A_77 : i1 to i32
      %sign3A_79 = arith.subi %sign3A_75, %sign3A_78 : i32
      %ne3A = vector.broadcast %sign3A_79 : i32 to vector<16xi32>
      %ne3A_80 = arith.cmpi ne, %sign3A_72, %ne3A : vector<16xi32>
      %rem3A = vector.broadcast %jit3A : i32 to vector<16xi32>
      %rem3A_81 = arith.remsi %add3A_63, %rem3A : vector<16xi32>
      %ne3A_82 = arith.constant 0 : i32
      %ne3A_83 = vector.broadcast %ne3A_82 : i32 to vector<16xi32>
      %ne3A_84 = arith.cmpi ne, %rem3A_81, %ne3A_83 : vector<16xi32>
      %and3A = arith.andi %ne3A_80, %ne3A_84 : vector<16xi1>
      %sub3A = arith.constant 1 : i32
      %sub3A_85 = vector.broadcast %sub3A : i32 to vector<16xi32>
      %sub3A_86 = arith.subi %div3A_64, %sub3A_85 : vector<16xi32>
      %select_n3A = arith.select %and3A, %sub3A_86, %div3A_64 : vector<16xi1>, vector<16xi32>
      %mul3A_87 = arith.constant 16 : i32
      %mul3A_88 = arith.muli %scan3A_57, %mul3A_87 : i32
      %swap3A = arith.index_cast %mul3A_88 : i32 to index
      %swap3A_89 = tpu.vector_load %arg14[%swap3A] {strides = array<i32>} : memref<320xi32, #tpu.memory_space<vmem>>, vector<16xi32>,
      tpu.vector_store %arg14[%swap3A], %select_n3A {strides = array<i32>} : memref<320xi32, #tpu.memory_space<vmem>>, vector<16xi32>,
      %mul3A_90 = arith.constant 100 : i32
      %mul3A_91 = vector.broadcast %mul3A_90 : i32 to vector<16xi32>
      %mul3A_92 = arith.muli %select_n3A, %mul3A_91 : vector<16xi32>
      %sub3A_93 = arith.subi %add3A_63, %mul3A_92 : vector<16xi32>
      %mul3A_94 = arith.constant 16 : i32
      %mul3A_95 = arith.muli %scan3A_57, %mul3A_94 : i32
      %swap3A_96 = arith.index_cast %mul3A_95 : i32 to index
      %swap3A_97 = tpu.vector_load %arg15[%swap3A_96] {strides = array<i32>} : memref<320xi32, #tpu.memory_space<vmem>>, vector<16xi32>,
      tpu.vector_store %arg15[%swap3A_96], %sub3A_93 {strides = array<i32>} : memref<320xi32, #tpu.memory_space<vmem>>, vector<16xi32>,
      %scan3A_98 = arith.constant 0 : i32
      scf.yield %scan3A_98 : i32
    }
    %scan3A_24 = arith.constant 20 : i32
    %lt3A = arith.constant 31 : i32
    %lt3A_25 = arith.cmpi slt, %add3A, %lt3A : i32
    %convert_element_type3A = arith.extui %lt3A_25 : i1 to i32
    %cond3A = arith.constant 0 : i32
    %cond3A_26 = arith.cmpi ne, %convert_element_type3A, %cond3A : i32
    scf.if %cond3A_26 {
      %dma_start3A_57 = tpu.memref_slice %arg6[%mul3A_17] : memref<10000xi32, #tpu.memory_space<hbm>> -> memref<320xi32, #tpu.memory_space<hbm>>
      %dma_start3A_58 = tpu.memref_slice %arg6[%mul3A_17] : memref<10000xi32, #tpu.memory_space<hbm>> -> memref<320xi32, #tpu.memory_space<hbm>>
      tpu.enqueue_dma source(%arg14 : memref<320xi32, #tpu.memory_space<vmem>>) target(%dma_start3A_58 : memref<320xi32, #tpu.memory_space<hbm>>) target_semaphore(%arg18 : memref<!tpu.dma_semaphore, #tpu.memory_space<semaphore_mem>>)
      %dma_start3A_59 = tpu.memref_slice %arg7[%mul3A_17] : memref<10000xi32, #tpu.memory_space<hbm>> -> memref<320xi32, #tpu.memory_space<hbm>>
      %dma_start3A_60 = tpu.memref_slice %arg7[%mul3A_17] : memref<10000xi32, #tpu.memory_space<hbm>> -> memref<320xi32, #tpu.memory_space<hbm>>
      tpu.enqueue_dma source(%arg15 : memref<320xi32, #tpu.memory_space<vmem>>) target(%dma_start3A_60 : memref<320xi32, #tpu.memory_space<hbm>>) target_semaphore(%arg18 : memref<!tpu.dma_semaphore, #tpu.memory_space<semaphore_mem>>)
      %dma_wait3A_61 = tpu.memref_slice %arg6[%mul3A_17] : memref<10000xi32, #tpu.memory_space<hbm>> -> memref<320xi32, #tpu.memory_space<hbm>>
      %dma_wait3A_62 = tpu.memref_slice %arg6[%mul3A_17] : memref<10000xi32, #tpu.memory_space<hbm>> -> memref<320xi32, #tpu.memory_space<hbm>>
      tpu.wait_dma2 semaphore(%arg18 : memref<!tpu.dma_semaphore, #tpu.memory_space<semaphore_mem>>) src(%arg14 : memref<320xi32, #tpu.memory_space<vmem>>) dst(%dma_wait3A_62 : memref<320xi32, #tpu.memory_space<hbm>>)
      %dma_wait3A_63 = tpu.memref_slice %arg7[%mul3A_17] : memref<10000xi32, #tpu.memory_space<hbm>> -> memref<320xi32, #tpu.memory_space<hbm>>
      %dma_wait3A_64 = tpu.memref_slice %arg7[%mul3A_17] : memref<10000xi32, #tpu.memory_space<hbm>> -> memref<320xi32, #tpu.memory_space<hbm>>
      tpu.wait_dma2 semaphore(%arg18 : memref<!tpu.dma_semaphore, #tpu.memory_space<semaphore_mem>>) src(%arg15 : memref<320xi32, #tpu.memory_space<vmem>>) dst(%dma_wait3A_64 : memref<320xi32, #tpu.memory_space<hbm>>)
    } else {
    }
    %eq3A = arith.constant 31 : i32
    %eq3A_27 = arith.cmpi eq, %add3A, %eq3A : i32
    %convert_element_type3A_28 = arith.extui %eq3A_27 : i1 to i32
    %cond3A_29 = arith.constant 0 : i32
    %cond3A_30 = arith.cmpi ne, %convert_element_type3A_28, %cond3A_29 : i32
    scf.if %cond3A_30 {
      %dma_start3A_57 = arith.constant 0 : i32
      %dma_start3A_58 = tpu.memref_slice %arg14[%dma_start3A_57] : memref<320xi32, #tpu.memory_space<vmem>> -> memref<80xi32, #tpu.memory_space<vmem>>
      %dma_start3A_59 = tpu.memref_slice %arg6[%mul3A_17] : memref<10000xi32, #tpu.memory_space<hbm>> -> memref<80xi32, #tpu.memory_space<hbm>>
      %dma_start3A_60 = tpu.memref_slice %arg6[%mul3A_17] : memref<10000xi32, #tpu.memory_space<hbm>> -> memref<80xi32, #tpu.memory_space<hbm>>
      %dma_start3A_61 = arith.constant 0 : i32
      %dma_start3A_62 = tpu.memref_slice %arg14[%dma_start3A_61] : memref<320xi32, #tpu.memory_space<vmem>> -> memref<80xi32, #tpu.memory_space<vmem>>
      tpu.enqueue_dma source(%dma_start3A_62 : memref<80xi32, #tpu.memory_space<vmem>>) target(%dma_start3A_60 : memref<80xi32, #tpu.memory_space<hbm>>) target_semaphore(%arg18 : memref<!tpu.dma_semaphore, #tpu.memory_space<semaphore_mem>>)
      %dma_start3A_63 = arith.constant 0 : i32
      %dma_start3A_64 = tpu.memref_slice %arg15[%dma_start3A_63] : memref<320xi32, #tpu.memory_space<vmem>> -> memref<80xi32, #tpu.memory_space<vmem>>
      %dma_start3A_65 = tpu.memref_slice %arg7[%mul3A_17] : memref<10000xi32, #tpu.memory_space<hbm>> -> memref<80xi32, #tpu.memory_space<hbm>>
      %dma_start3A_66 = tpu.memref_slice %arg7[%mul3A_17] : memref<10000xi32, #tpu.memory_space<hbm>> -> memref<80xi32, #tpu.memory_space<hbm>>
      %dma_start3A_67 = arith.constant 0 : i32
      %dma_start3A_68 = tpu.memref_slice %arg15[%dma_start3A_67] : memref<320xi32, #tpu.memory_space<vmem>> -> memref<80xi32, #tpu.memory_space<vmem>>
      tpu.enqueue_dma source(%dma_start3A_68 : memref<80xi32, #tpu.memory_space<vmem>>) target(%dma_start3A_66 : memref<80xi32, #tpu.memory_space<hbm>>) target_semaphore(%arg18 : memref<!tpu.dma_semaphore, #tpu.memory_space<semaphore_mem>>)
      %dma_wait3A_69 = arith.constant 0 : i32
      %dma_wait3A_70 = tpu.memref_slice %arg14[%dma_wait3A_69] : memref<320xi32, #tpu.memory_space<vmem>> -> memref<80xi32, #tpu.memory_space<vmem>>
      %dma_wait3A_71 = tpu.memref_slice %arg6[%mul3A_17] : memref<10000xi32, #tpu.memory_space<hbm>> -> memref<80xi32, #tpu.memory_space<hbm>>
      %dma_wait3A_72 = tpu.memref_slice %arg6[%mul3A_17] : memref<10000xi32, #tpu.memory_space<hbm>> -> memref<80xi32, #tpu.memory_space<hbm>>
      %dma_wait3A_73 = arith.constant 0 : i32
      %dma_wait3A_74 = tpu.memref_slice %arg14[%dma_wait3A_73] : memref<320xi32, #tpu.memory_space<vmem>> -> memref<80xi32, #tpu.memory_space<vmem>>
      tpu.wait_dma2 semaphore(%arg18 : memref<!tpu.dma_semaphore, #tpu.memory_space<semaphore_mem>>) src(%dma_wait3A_74 : memref<80xi32, #tpu.memory_space<vmem>>) dst(%dma_wait3A_72 : memref<80xi32, #tpu.memory_space<hbm>>)
      %dma_wait3A_75 = arith.constant 0 : i32
      %dma_wait3A_76 = tpu.memref_slice %arg15[%dma_wait3A_75] : memref<320xi32, #tpu.memory_space<vmem>> -> memref<80xi32, #tpu.memory_space<vmem>>
      %dma_wait3A_77 = tpu.memref_slice %arg7[%mul3A_17] : memref<10000xi32, #tpu.memory_space<hbm>> -> memref<80xi32, #tpu.memory_space<hbm>>
      %dma_wait3A_78 = tpu.memref_slice %arg7[%mul3A_17] : memref<10000xi32, #tpu.memory_space<hbm>> -> memref<80xi32, #tpu.memory_space<hbm>>
      %dma_wait3A_79 = arith.constant 0 : i32
      %dma_wait3A_80 = tpu.memref_slice %arg15[%dma_wait3A_79] : memref<320xi32, #tpu.memory_space<vmem>> -> memref<80xi32, #tpu.memory_space<vmem>>
      tpu.wait_dma2 semaphore(%arg18 : memref<!tpu.dma_semaphore, #tpu.memory_space<semaphore_mem>>) src(%dma_wait3A_80 : memref<80xi32, #tpu.memory_space<vmem>>) dst(%dma_wait3A_78 : memref<80xi32, #tpu.memory_space<hbm>>)
    } else {
    }
    %eq3A_31 = arith.constant 0 : i32
    %eq3A_32 = arith.cmpi eq, %add3A, %eq3A_31 : i32
    %convert_element_type3A_33 = arith.extui %eq3A_32 : i1 to i32
    %cond3A_34 = arith.constant 0 : i32
    %cond3A_35 = arith.cmpi ne, %convert_element_type3A_33, %cond3A_34 : i32
    scf.if %cond3A_35 {
      %broadcast_in_dim3A = arith.constant 100 : i32
      %broadcast_in_dim3A_57 = vector.broadcast %broadcast_in_dim3A : i32 to vector<16xi32>
      %swap3A = arith.constant 0 : index
      %swap3A_58 = tpu.vector_load %arg16[%swap3A] {strides = array<i32>} : memref<112xi32, #tpu.memory_space<vmem>>, vector<16xi32>,
      tpu.vector_store %arg16[%swap3A], %broadcast_in_dim3A_57 {strides = array<i32>} : memref<112xi32, #tpu.memory_space<vmem>>, vector<16xi32>,
      %broadcast_in_dim3A_59 = arith.constant 100 : i32
      %broadcast_in_dim3A_60 = vector.broadcast %broadcast_in_dim3A_59 : i32 to vector<16xi32>
      %swap3A_61 = arith.constant 16 : index
      %swap3A_62 = tpu.vector_load %arg16[%swap3A_61] {strides = array<i32>} : memref<112xi32, #tpu.memory_space<vmem>>, vector<16xi32>,
      tpu.vector_store %arg16[%swap3A_61], %broadcast_in_dim3A_60 {strides = array<i32>} : memref<112xi32, #tpu.memory_space<vmem>>, vector<16xi32>,
      %broadcast_in_dim3A_63 = arith.constant 100 : i32
      %broadcast_in_dim3A_64 = vector.broadcast %broadcast_in_dim3A_63 : i32 to vector<16xi32>
      %swap3A_65 = arith.constant 32 : index
      %swap3A_66 = tpu.vector_load %arg16[%swap3A_65] {strides = array<i32>} : memref<112xi32, #tpu.memory_space<vmem>>, vector<16xi32>,
      tpu.vector_store %arg16[%swap3A_65], %broadcast_in_dim3A_64 {strides = array<i32>} : memref<112xi32, #tpu.memory_space<vmem>>, vector<16xi32>,
      %broadcast_in_dim3A_67 = arith.constant 100 : i32
      %broadcast_in_dim3A_68 = vector.broadcast %broadcast_in_dim3A_67 : i32 to vector<16xi32>
      %swap3A_69 = arith.constant 48 : index
      %swap3A_70 = tpu.vector_load %arg16[%swap3A_69] {strides = array<i32>} : memref<112xi32, #tpu.memory_space<vmem>>, vector<16xi32>,
      tpu.vector_store %arg16[%swap3A_69], %broadcast_in_dim3A_68 {strides = array<i32>} : memref<112xi32, #tpu.memory_space<vmem>>, vector<16xi32>,
      %broadcast_in_dim3A_71 = arith.constant 100 : i32
      %broadcast_in_dim3A_72 = vector.broadcast %broadcast_in_dim3A_71 : i32 to vector<16xi32>
      %swap3A_73 = arith.constant 64 : index
      %swap3A_74 = tpu.vector_load %arg16[%swap3A_73] {strides = array<i32>} : memref<112xi32, #tpu.memory_space<vmem>>, vector<16xi32>,
      tpu.vector_store %arg16[%swap3A_73], %broadcast_in_dim3A_72 {strides = array<i32>} : memref<112xi32, #tpu.memory_space<vmem>>, vector<16xi32>,
      %broadcast_in_dim3A_75 = arith.constant 100 : i32
      %broadcast_in_dim3A_76 = vector.broadcast %broadcast_in_dim3A_75 : i32 to vector<16xi32>
      %swap3A_77 = arith.constant 80 : index
      %swap3A_78 = tpu.vector_load %arg16[%swap3A_77] {strides = array<i32>} : memref<112xi32, #tpu.memory_space<vmem>>, vector<16xi32>,
      tpu.vector_store %arg16[%swap3A_77], %broadcast_in_dim3A_76 {strides = array<i32>} : memref<112xi32, #tpu.memory_space<vmem>>, vector<16xi32>,
      %broadcast_in_dim3A_79 = arith.constant 100 : i32
      %broadcast_in_dim3A_80 = vector.broadcast %broadcast_in_dim3A_79 : i32 to vector<16xi32>
      %swap3A_81 = arith.constant 96 : index
      %swap3A_82 = tpu.vector_load %arg16[%swap3A_81] {strides = array<i32>} : memref<112xi32, #tpu.memory_space<vmem>>, vector<16xi32>,
      tpu.vector_store %arg16[%swap3A_81], %broadcast_in_dim3A_80 {strides = array<i32>} : memref<112xi32, #tpu.memory_space<vmem>>, vector<16xi32>,
      %dma_start3A_83 = arith.constant 0 : i32
      %dma_start3A_84 = tpu.memref_slice %arg16[%dma_start3A_83] : memref<112xi32, #tpu.memory_space<vmem>> -> memref<100xi32, #tpu.memory_space<vmem>>
      %dma_start3A_85 = arith.constant 0 : i32
      %dma_start3A_86 = tpu.memref_slice %arg16[%dma_start3A_85] : memref<112xi32, #tpu.memory_space<vmem>> -> memref<100xi32, #tpu.memory_space<vmem>>
      tpu.enqueue_dma source(%dma_start3A_86 : memref<100xi32, #tpu.memory_space<vmem>>) target(%arg8 : memref<100xi32, #tpu.memory_space<hbm>>) target_semaphore(%arg18 : memref<!tpu.dma_semaphore, #tpu.memory_space<semaphore_mem>>)
      %dma_wait3A_87 = arith.constant 0 : i32
      %dma_wait3A_88 = tpu.memref_slice %arg16[%dma_wait3A_87] : memref<112xi32, #tpu.memory_space<vmem>> -> memref<100xi32, #tpu.memory_space<vmem>>
      %dma_wait3A_89 = arith.constant 0 : i32
      %dma_wait3A_90 = tpu.memref_slice %arg16[%dma_wait3A_89] : memref<112xi32, #tpu.memory_space<vmem>> -> memref<100xi32, #tpu.memory_space<vmem>>
      tpu.wait_dma2 semaphore(%arg18 : memref<!tpu.dma_semaphore, #tpu.memory_space<semaphore_mem>>) src(%dma_wait3A_90 : memref<100xi32, #tpu.memory_space<vmem>>) dst(%arg8 : memref<100xi32, #tpu.memory_space<hbm>>)
    } else {
    }
    %eq3A_36 = arith.constant 1 : i32
    %eq3A_37 = arith.cmpi eq, %add3A, %eq3A_36 : i32
    %convert_element_type3A_38 = arith.extui %eq3A_37 : i1 to i32
    %cond3A_39 = arith.constant 0 : i32
    %cond3A_40 = arith.cmpi ne, %convert_element_type3A_38, %cond3A_39 : i32
    scf.if %cond3A_40 {
      %broadcast_in_dim3A = arith.constant 3200 : i32
      %broadcast_in_dim3A_57 = vector.broadcast %broadcast_in_dim3A : i32 to vector<16xi32>
      %swap3A = arith.constant 0 : index
      %swap3A_58 = tpu.vector_load %arg16[%swap3A] {strides = array<i32>} : memref<112xi32, #tpu.memory_space<vmem>>, vector<16xi32>,
      tpu.vector_store %arg16[%swap3A], %broadcast_in_dim3A_57 {strides = array<i32>} : memref<112xi32, #tpu.memory_space<vmem>>, vector<16xi32>,
      %broadcast_in_dim3A_59 = arith.constant 3200 : i32
      %broadcast_in_dim3A_60 = vector.broadcast %broadcast_in_dim3A_59 : i32 to vector<16xi32>
      %swap3A_61 = arith.constant 16 : index
      %swap3A_62 = tpu.vector_load %arg16[%swap3A_61] {strides = array<i32>} : memref<112xi32, #tpu.memory_space<vmem>>, vector<16xi32>,
      tpu.vector_store %arg16[%swap3A_61], %broadcast_in_dim3A_60 {strides = array<i32>} : memref<112xi32, #tpu.memory_space<vmem>>, vector<16xi32>,
      %broadcast_in_dim3A_63 = arith.constant 3200 : i32
      %broadcast_in_dim3A_64 = vector.broadcast %broadcast_in_dim3A_63 : i32 to vector<16xi32>
      %swap3A_65 = arith.constant 32 : index
      %swap3A_66 = tpu.vector_load %arg16[%swap3A_65] {strides = array<i32>} : memref<112xi32, #tpu.memory_space<vmem>>, vector<16xi32>,
      tpu.vector_store %arg16[%swap3A_65], %broadcast_in_dim3A_64 {strides = array<i32>} : memref<112xi32, #tpu.memory_space<vmem>>, vector<16xi32>,
      %broadcast_in_dim3A_67 = arith.constant 3200 : i32
      %broadcast_in_dim3A_68 = vector.broadcast %broadcast_in_dim3A_67 : i32 to vector<16xi32>
      %swap3A_69 = arith.constant 48 : index
      %swap3A_70 = tpu.vector_load %arg16[%swap3A_69] {strides = array<i32>} : memref<112xi32, #tpu.memory_space<vmem>>, vector<16xi32>,
      tpu.vector_store %arg16[%swap3A_69], %broadcast_in_dim3A_68 {strides = array<i32>} : memref<112xi32, #tpu.memory_space<vmem>>, vector<16xi32>,
      %broadcast_in_dim3A_71 = arith.constant 3200 : i32
      %broadcast_in_dim3A_72 = vector.broadcast %broadcast_in_dim3A_71 : i32 to vector<16xi32>
      %swap3A_73 = arith.constant 64 : index
      %swap3A_74 = tpu.vector_load %arg16[%swap3A_73] {strides = array<i32>} : memref<112xi32, #tpu.memory_space<vmem>>, vector<16xi32>,
      tpu.vector_store %arg16[%swap3A_73], %broadcast_in_dim3A_72 {strides = array<i32>} : memref<112xi32, #tpu.memory_space<vmem>>, vector<16xi32>,
      %broadcast_in_dim3A_75 = arith.constant 3200 : i32
      %broadcast_in_dim3A_76 = vector.broadcast %broadcast_in_dim3A_75 : i32 to vector<16xi32>
      %swap3A_77 = arith.constant 80 : index
      %swap3A_78 = tpu.vector_load %arg16[%swap3A_77] {strides = array<i32>} : memref<112xi32, #tpu.memory_space<vmem>>, vector<16xi32>,
      tpu.vector_store %arg16[%swap3A_77], %broadcast_in_dim3A_76 {strides = array<i32>} : memref<112xi32, #tpu.memory_space<vmem>>, vector<16xi32>,
      %broadcast_in_dim3A_79 = arith.constant 3200 : i32
      %broadcast_in_dim3A_80 = vector.broadcast %broadcast_in_dim3A_79 : i32 to vector<16xi32>
      %swap3A_81 = arith.constant 96 : index
      %swap3A_82 = tpu.vector_load %arg16[%swap3A_81] {strides = array<i32>} : memref<112xi32, #tpu.memory_space<vmem>>, vector<16xi32>,
      tpu.vector_store %arg16[%swap3A_81], %broadcast_in_dim3A_80 {strides = array<i32>} : memref<112xi32, #tpu.memory_space<vmem>>, vector<16xi32>,
      %dma_start3A_83 = arith.constant 0 : i32
      %dma_start3A_84 = tpu.memref_slice %arg16[%dma_start3A_83] : memref<112xi32, #tpu.memory_space<vmem>> -> memref<100xi32, #tpu.memory_space<vmem>>
      %dma_start3A_85 = arith.constant 0 : i32
      %dma_start3A_86 = tpu.memref_slice %arg16[%dma_start3A_85] : memref<112xi32, #tpu.memory_space<vmem>> -> memref<100xi32, #tpu.memory_space<vmem>>
      tpu.enqueue_dma source(%dma_start3A_86 : memref<100xi32, #tpu.memory_space<vmem>>) target(%arg9 : memref<100xi32, #tpu.memory_space<hbm>>) target_semaphore(%arg18 : memref<!tpu.dma_semaphore, #tpu.memory_space<semaphore_mem>>)
      %dma_wait3A_87 = arith.constant 0 : i32
      %dma_wait3A_88 = tpu.memref_slice %arg16[%dma_wait3A_87] : memref<112xi32, #tpu.memory_space<vmem>> -> memref<100xi32, #tpu.memory_space<vmem>>
      %dma_wait3A_89 = arith.constant 0 : i32
      %dma_wait3A_90 = tpu.memref_slice %arg16[%dma_wait3A_89] : memref<112xi32, #tpu.memory_space<vmem>> -> memref<100xi32, #tpu.memory_space<vmem>>
      tpu.wait_dma2 semaphore(%arg18 : memref<!tpu.dma_semaphore, #tpu.memory_space<semaphore_mem>>) src(%dma_wait3A_90 : memref<100xi32, #tpu.memory_space<vmem>>) dst(%arg9 : memref<100xi32, #tpu.memory_space<hbm>>)
    } else {
    }
    %dma_wait3A = tpu.memref_slice %arg2[%mul3A_2] : memref<640000xi32, #tpu.memory_space<hbm>> -> memref<20000xi32, #tpu.memory_space<hbm>>
    %dma_wait3A_41 = tpu.memref_slice %arg2[%mul3A_2] : memref<640000xi32, #tpu.memory_space<hbm>> -> memref<20000xi32, #tpu.memory_space<hbm>>
    tpu.wait_dma2 semaphore(%arg17 : memref<!tpu.dma_semaphore, #tpu.memory_space<semaphore_mem>>) src(%dma_wait3A_41 : memref<20000xi32, #tpu.memory_space<hbm>>) dst(%arg10 : memref<20000xi32, #tpu.memory_space<vmem>>)
    %scan3A_42 = arith.constant 0 : i32
    %scan3A_43 = arith.constant 0 : i32
    %scan3A_44 = arith.constant 250 : i32
    %scan3A_45 = arith.addi %scan3A_43, %scan3A_44 : i32
    %scan3A_46 = arith.constant 1 : i32
    %scan3A_47 = scf.for %scan3A_57 = %scan3A_43 to %scan3A_45 step %scan3A_46 iter_args(%scan3A_58 = %scan3A_42) -> (i32)  : i32 {
      %mul3A_59 = arith.constant 5 : i32
      %mul3A_60 = arith.muli %scan3A_57, %mul3A_59 : i32
      %add3A_61 = arith.constant 0 : i32
      %add3A_62 = arith.addi %mul3A_60, %add3A_61 : i32
      %mul3A_63 = arith.constant 16 : i32
      %mul3A_64 = arith.muli %add3A_62, %mul3A_63 : i32
      %add3A_65 = arith.addi %mul3A_2, %mul3A_64 : i32
      %jit3A = arith.constant 6400 : i32
      %div3A = arith.divsi %add3A_65, %jit3A : i32
      %sign3A = arith.constant 0 : i32
      %sign3A_66 = arith.cmpi sgt, %add3A_65, %sign3A : i32
      %sign3A_67 = arith.extui %sign3A_66 : i1 to i32
      %sign3A_68 = arith.constant 0 : i32
      %sign3A_69 = arith.cmpi slt, %add3A_65, %sign3A_68 : i32
      %sign3A_70 = arith.extui %sign3A_69 : i1 to i32
      %sign3A_71 = arith.subi %sign3A_67, %sign3A_70 : i32
      %sign3A_72 = arith.constant 0 : i32
      %sign3A_73 = arith.cmpi sgt, %jit3A, %sign3A_72 : i32
      %sign3A_74 = arith.extui %sign3A_73 : i1 to i32
      %sign3A_75 = arith.constant 0 : i32
      %sign3A_76 = arith.cmpi slt, %jit3A, %sign3A_75 : i32
      %sign3A_77 = arith.extui %sign3A_76 : i1 to i32
      %sign3A_78 = arith.subi %sign3A_74, %sign3A_77 : i32
      %ne3A = arith.cmpi ne, %sign3A_71, %sign3A_78 : i32
      %rem3A = arith.remsi %add3A_65, %jit3A : i32
      %ne3A_79 = arith.constant 0 : i32
      %ne3A_80 = arith.cmpi ne, %rem3A, %ne3A_79 : i32
      %and3A = arith.andi %ne3A, %ne3A_80 : i1
      %sub3A = arith.constant 1 : i32
      %sub3A_81 = arith.subi %div3A, %sub3A : i32
      %select_n3A = arith.select %and3A, %sub3A_81, %div3A : i32
      %mul3A_82 = arith.constant 100 : i32
      %mul3A_83 = arith.muli %select_n3A, %mul3A_82 : i32
      %get3A = arith.index_cast %mul3A_64 : i32 to index
      %get3A_84 = tpu.vector_load %arg10[%get3A] {strides = array<i32>} : memref<20000xi32, #tpu.memory_space<vmem>>, vector<16xi32>,
      %add3A_85 = vector.broadcast %mul3A_83 : i32 to vector<16xi32>
      %add3A_86 = arith.addi %get3A_84, %add3A_85 : vector<16xi32>
      %swap3A = arith.index_cast %mul3A_64 : i32 to index
      %swap3A_87 = tpu.vector_load %arg11[%swap3A] {strides = array<i32>} : memref<20000xi32, #tpu.memory_space<vmem>>, vector<16xi32>,
      tpu.vector_store %arg11[%swap3A], %add3A_86 {strides = array<i32>} : memref<20000xi32, #tpu.memory_space<vmem>>, vector<16xi32>,
      %mul3A_88 = arith.constant 5 : i32
      %mul3A_89 = arith.muli %scan3A_57, %mul3A_88 : i32
      %add3A_90 = arith.constant 1 : i32
      %add3A_91 = arith.addi %mul3A_89, %add3A_90 : i32
      %mul3A_92 = arith.constant 16 : i32
      %mul3A_93 = arith.muli %add3A_91, %mul3A_92 : i32
      %add3A_94 = arith.addi %mul3A_2, %mul3A_93 : i32
      %jit3A_95 = arith.constant 6400 : i32
      %div3A_96 = arith.divsi %add3A_94, %jit3A_95 : i32
      %sign3A_97 = arith.constant 0 : i32
      %sign3A_98 = arith.cmpi sgt, %add3A_94, %sign3A_97 : i32
      %sign3A_99 = arith.extui %sign3A_98 : i1 to i32
      %sign3A_100 = arith.constant 0 : i32
      %sign3A_101 = arith.cmpi slt, %add3A_94, %sign3A_100 : i32
      %sign3A_102 = arith.extui %sign3A_101 : i1 to i32
      %sign3A_103 = arith.subi %sign3A_99, %sign3A_102 : i32
      %sign3A_104 = arith.constant 0 : i32
      %sign3A_105 = arith.cmpi sgt, %jit3A_95, %sign3A_104 : i32
      %sign3A_106 = arith.extui %sign3A_105 : i1 to i32
      %sign3A_107 = arith.constant 0 : i32
      %sign3A_108 = arith.cmpi slt, %jit3A_95, %sign3A_107 : i32
      %sign3A_109 = arith.extui %sign3A_108 : i1 to i32
      %sign3A_110 = arith.subi %sign3A_106, %sign3A_109 : i32
      %ne3A_111 = arith.cmpi ne, %sign3A_103, %sign3A_110 : i32
      %rem3A_112 = arith.remsi %add3A_94, %jit3A_95 : i32
      %ne3A_113 = arith.constant 0 : i32
      %ne3A_114 = arith.cmpi ne, %rem3A_112, %ne3A_113 : i32
      %and3A_115 = arith.andi %ne3A_111, %ne3A_114 : i1
      %sub3A_116 = arith.constant 1 : i32
      %sub3A_117 = arith.subi %div3A_96, %sub3A_116 : i32
      %select_n3A_118 = arith.select %and3A_115, %sub3A_117, %div3A_96 : i32
      %mul3A_119 = arith.constant 100 : i32
      %mul3A_120 = arith.muli %select_n3A_118, %mul3A_119 : i32
      %get3A_121 = arith.index_cast %mul3A_93 : i32 to index
      %get3A_122 = tpu.vector_load %arg10[%get3A_121] {strides = array<i32>} : memref<20000xi32, #tpu.memory_space<vmem>>, vector<16xi32>,
      %add3A_123 = vector.broadcast %mul3A_120 : i32 to vector<16xi32>
      %add3A_124 = arith.addi %get3A_122, %add3A_123 : vector<16xi32>
      %swap3A_125 = arith.index_cast %mul3A_93 : i32 to index
      %swap3A_126 = tpu.vector_load %arg11[%swap3A_125] {strides = array<i32>} : memref<20000xi32, #tpu.memory_space<vmem>>, vector<16xi32>,
      tpu.vector_store %arg11[%swap3A_125], %add3A_124 {strides = array<i32>} : memref<20000xi32, #tpu.memory_space<vmem>>, vector<16xi32>,
      %mul3A_127 = arith.constant 5 : i32
      %mul3A_128 = arith.muli %scan3A_57, %mul3A_127 : i32
      %add3A_129 = arith.constant 2 : i32
      %add3A_130 = arith.addi %mul3A_128, %add3A_129 : i32
      %mul3A_131 = arith.constant 16 : i32
      %mul3A_132 = arith.muli %add3A_130, %mul3A_131 : i32
      %add3A_133 = arith.addi %mul3A_2, %mul3A_132 : i32
      %jit3A_134 = arith.constant 6400 : i32
      %div3A_135 = arith.divsi %add3A_133, %jit3A_134 : i32
      %sign3A_136 = arith.constant 0 : i32
      %sign3A_137 = arith.cmpi sgt, %add3A_133, %sign3A_136 : i32
      %sign3A_138 = arith.extui %sign3A_137 : i1 to i32
      %sign3A_139 = arith.constant 0 : i32
      %sign3A_140 = arith.cmpi slt, %add3A_133, %sign3A_139 : i32
      %sign3A_141 = arith.extui %sign3A_140 : i1 to i32
      %sign3A_142 = arith.subi %sign3A_138, %sign3A_141 : i32
      %sign3A_143 = arith.constant 0 : i32
      %sign3A_144 = arith.cmpi sgt, %jit3A_134, %sign3A_143 : i32
      %sign3A_145 = arith.extui %sign3A_144 : i1 to i32
      %sign3A_146 = arith.constant 0 : i32
      %sign3A_147 = arith.cmpi slt, %jit3A_134, %sign3A_146 : i32
      %sign3A_148 = arith.extui %sign3A_147 : i1 to i32
      %sign3A_149 = arith.subi %sign3A_145, %sign3A_148 : i32
      %ne3A_150 = arith.cmpi ne, %sign3A_142, %sign3A_149 : i32
      %rem3A_151 = arith.remsi %add3A_133, %jit3A_134 : i32
      %ne3A_152 = arith.constant 0 : i32
      %ne3A_153 = arith.cmpi ne, %rem3A_151, %ne3A_152 : i32
      %and3A_154 = arith.andi %ne3A_150, %ne3A_153 : i1
      %sub3A_155 = arith.constant 1 : i32
      %sub3A_156 = arith.subi %div3A_135, %sub3A_155 : i32
      %select_n3A_157 = arith.select %and3A_154, %sub3A_156, %div3A_135 : i32
      %mul3A_158 = arith.constant 100 : i32
      %mul3A_159 = arith.muli %select_n3A_157, %mul3A_158 : i32
      %get3A_160 = arith.index_cast %mul3A_132 : i32 to index
      %get3A_161 = tpu.vector_load %arg10[%get3A_160] {strides = array<i32>} : memref<20000xi32, #tpu.memory_space<vmem>>, vector<16xi32>,
      %add3A_162 = vector.broadcast %mul3A_159 : i32 to vector<16xi32>
      %add3A_163 = arith.addi %get3A_161, %add3A_162 : vector<16xi32>
      %swap3A_164 = arith.index_cast %mul3A_132 : i32 to index
      %swap3A_165 = tpu.vector_load %arg11[%swap3A_164] {strides = array<i32>} : memref<20000xi32, #tpu.memory_space<vmem>>, vector<16xi32>,
      tpu.vector_store %arg11[%swap3A_164], %add3A_163 {strides = array<i32>} : memref<20000xi32, #tpu.memory_space<vmem>>, vector<16xi32>,
      %mul3A_166 = arith.constant 5 : i32
      %mul3A_167 = arith.muli %scan3A_57, %mul3A_166 : i32
      %add3A_168 = arith.constant 3 : i32
      %add3A_169 = arith.addi %mul3A_167, %add3A_168 : i32
      %mul3A_170 = arith.constant 16 : i32
      %mul3A_171 = arith.muli %add3A_169, %mul3A_170 : i32
      %add3A_172 = arith.addi %mul3A_2, %mul3A_171 : i32
      %jit3A_173 = arith.constant 6400 : i32
      %div3A_174 = arith.divsi %add3A_172, %jit3A_173 : i32
      %sign3A_175 = arith.constant 0 : i32
      %sign3A_176 = arith.cmpi sgt, %add3A_172, %sign3A_175 : i32
      %sign3A_177 = arith.extui %sign3A_176 : i1 to i32
      %sign3A_178 = arith.constant 0 : i32
      %sign3A_179 = arith.cmpi slt, %add3A_172, %sign3A_178 : i32
      %sign3A_180 = arith.extui %sign3A_179 : i1 to i32
      %sign3A_181 = arith.subi %sign3A_177, %sign3A_180 : i32
      %sign3A_182 = arith.constant 0 : i32
      %sign3A_183 = arith.cmpi sgt, %jit3A_173, %sign3A_182 : i32
      %sign3A_184 = arith.extui %sign3A_183 : i1 to i32
      %sign3A_185 = arith.constant 0 : i32
      %sign3A_186 = arith.cmpi slt, %jit3A_173, %sign3A_185 : i32
      %sign3A_187 = arith.extui %sign3A_186 : i1 to i32
      %sign3A_188 = arith.subi %sign3A_184, %sign3A_187 : i32
      %ne3A_189 = arith.cmpi ne, %sign3A_181, %sign3A_188 : i32
      %rem3A_190 = arith.remsi %add3A_172, %jit3A_173 : i32
      %ne3A_191 = arith.constant 0 : i32
      %ne3A_192 = arith.cmpi ne, %rem3A_190, %ne3A_191 : i32
      %and3A_193 = arith.andi %ne3A_189, %ne3A_192 : i1
      %sub3A_194 = arith.constant 1 : i32
      %sub3A_195 = arith.subi %div3A_174, %sub3A_194 : i32
      %select_n3A_196 = arith.select %and3A_193, %sub3A_195, %div3A_174 : i32
      %mul3A_197 = arith.constant 100 : i32
      %mul3A_198 = arith.muli %select_n3A_196, %mul3A_197 : i32
      %get3A_199 = arith.index_cast %mul3A_171 : i32 to index
      %get3A_200 = tpu.vector_load %arg10[%get3A_199] {strides = array<i32>} : memref<20000xi32, #tpu.memory_space<vmem>>, vector<16xi32>,
      %add3A_201 = vector.broadcast %mul3A_198 : i32 to vector<16xi32>
      %add3A_202 = arith.addi %get3A_200, %add3A_201 : vector<16xi32>
      %swap3A_203 = arith.index_cast %mul3A_171 : i32 to index
      %swap3A_204 = tpu.vector_load %arg11[%swap3A_203] {strides = array<i32>} : memref<20000xi32, #tpu.memory_space<vmem>>, vector<16xi32>,
      tpu.vector_store %arg11[%swap3A_203], %add3A_202 {strides = array<i32>} : memref<20000xi32, #tpu.memory_space<vmem>>, vector<16xi32>,
      %mul3A_205 = arith.constant 5 : i32
      %mul3A_206 = arith.muli %scan3A_57, %mul3A_205 : i32
      %add3A_207 = arith.constant 4 : i32
      %add3A_208 = arith.addi %mul3A_206, %add3A_207 : i32
      %mul3A_209 = arith.constant 16 : i32
      %mul3A_210 = arith.muli %add3A_208, %mul3A_209 : i32
      %add3A_211 = arith.addi %mul3A_2, %mul3A_210 : i32
      %jit3A_212 = arith.constant 6400 : i32
      %div3A_213 = arith.divsi %add3A_211, %jit3A_212 : i32
      %sign3A_214 = arith.constant 0 : i32
      %sign3A_215 = arith.cmpi sgt, %add3A_211, %sign3A_214 : i32
      %sign3A_216 = arith.extui %sign3A_215 : i1 to i32
      %sign3A_217 = arith.constant 0 : i32
      %sign3A_218 = arith.cmpi slt, %add3A_211, %sign3A_217 : i32
      %sign3A_219 = arith.extui %sign3A_218 : i1 to i32
      %sign3A_220 = arith.subi %sign3A_216, %sign3A_219 : i32
      %sign3A_221 = arith.constant 0 : i32
      %sign3A_222 = arith.cmpi sgt, %jit3A_212, %sign3A_221 : i32
      %sign3A_223 = arith.extui %sign3A_222 : i1 to i32
      %sign3A_224 = arith.constant 0 : i32
      %sign3A_225 = arith.cmpi slt, %jit3A_212, %sign3A_224 : i32
      %sign3A_226 = arith.extui %sign3A_225 : i1 to i32
      %sign3A_227 = arith.subi %sign3A_223, %sign3A_226 : i32
      %ne3A_228 = arith.cmpi ne, %sign3A_220, %sign3A_227 : i32
      %rem3A_229 = arith.remsi %add3A_211, %jit3A_212 : i32
      %ne3A_230 = arith.constant 0 : i32
      %ne3A_231 = arith.cmpi ne, %rem3A_229, %ne3A_230 : i32
      %and3A_232 = arith.andi %ne3A_228, %ne3A_231 : i1
      %sub3A_233 = arith.constant 1 : i32
      %sub3A_234 = arith.subi %div3A_213, %sub3A_233 : i32
      %select_n3A_235 = arith.select %and3A_232, %sub3A_234, %div3A_213 : i32
      %mul3A_236 = arith.constant 100 : i32
      %mul3A_237 = arith.muli %select_n3A_235, %mul3A_236 : i32
      %get3A_238 = arith.index_cast %mul3A_210 : i32 to index
      %get3A_239 = tpu.vector_load %arg10[%get3A_238] {strides = array<i32>} : memref<20000xi32, #tpu.memory_space<vmem>>, vector<16xi32>,
      %add3A_240 = vector.broadcast %mul3A_237 : i32 to vector<16xi32>
      %add3A_241 = arith.addi %get3A_239, %add3A_240 : vector<16xi32>
      %swap3A_242 = arith.index_cast %mul3A_210 : i32 to index
      %swap3A_243 = tpu.vector_load %arg11[%swap3A_242] {strides = array<i32>} : memref<20000xi32, #tpu.memory_space<vmem>>, vector<16xi32>,
      tpu.vector_store %arg11[%swap3A_242], %add3A_241 {strides = array<i32>} : memref<20000xi32, #tpu.memory_space<vmem>>, vector<16xi32>,
      %scan3A_244 = arith.constant 0 : i32
      scf.yield %scan3A_244 : i32
    }
    %scan3A_48 = arith.constant 250 : i32
    %dma_start3A_49 = tpu.memref_slice %arg3[%mul3A_2] : memref<640000xi32, #tpu.memory_space<hbm>> -> memref<20000xi32, #tpu.memory_space<hbm>>
    %dma_start3A_50 = tpu.memref_slice %arg3[%mul3A_2] : memref<640000xi32, #tpu.memory_space<hbm>> -> memref<20000xi32, #tpu.memory_space<hbm>>
    tpu.enqueue_dma source(%arg11 : memref<20000xi32, #tpu.memory_space<vmem>>) target(%dma_start3A_50 : memref<20000xi32, #tpu.memory_space<hbm>>) target_semaphore(%arg19 : memref<!tpu.dma_semaphore, #tpu.memory_space<semaphore_mem>>)
    %dma_wait3A_51 = tpu.memref_slice %arg4[%mul3A_5] : memref<320000xi32, #tpu.memory_space<hbm>> -> memref<10000xi32, #tpu.memory_space<hbm>>
    %dma_wait3A_52 = tpu.memref_slice %arg4[%mul3A_5] : memref<320000xi32, #tpu.memory_space<hbm>> -> memref<10000xi32, #tpu.memory_space<hbm>>
    tpu.wait_dma2 semaphore(%arg19 : memref<!tpu.dma_semaphore, #tpu.memory_space<semaphore_mem>>) src(%arg12 : memref<10000xi32, #tpu.memory_space<vmem>>) dst(%dma_wait3A_52 : memref<10000xi32, #tpu.memory_space<hbm>>)
    %dma_wait3A_53 = tpu.memref_slice %arg5[%mul3A_5] : memref<320000xi32, #tpu.memory_space<hbm>> -> memref<10000xi32, #tpu.memory_space<hbm>>
    %dma_wait3A_54 = tpu.memref_slice %arg5[%mul3A_5] : memref<320000xi32, #tpu.memory_space<hbm>> -> memref<10000xi32, #tpu.memory_space<hbm>>
    tpu.wait_dma2 semaphore(%arg19 : memref<!tpu.dma_semaphore, #tpu.memory_space<semaphore_mem>>) src(%arg13 : memref<10000xi32, #tpu.memory_space<vmem>>) dst(%dma_wait3A_54 : memref<10000xi32, #tpu.memory_space<hbm>>)
    %dma_wait3A_55 = tpu.memref_slice %arg3[%mul3A_2] : memref<640000xi32, #tpu.memory_space<hbm>> -> memref<20000xi32, #tpu.memory_space<hbm>>
    %dma_wait3A_56 = tpu.memref_slice %arg3[%mul3A_2] : memref<640000xi32, #tpu.memory_space<hbm>> -> memref<20000xi32, #tpu.memory_space<hbm>>
    tpu.wait_dma2 semaphore(%arg19 : memref<!tpu.dma_semaphore, #tpu.memory_space<semaphore_mem>>) src(%arg11 : memref<20000xi32, #tpu.memory_space<vmem>>) dst(%dma_wait3A_56 : memref<20000xi32, #tpu.memory_space<hbm>>)
    return
  }
}

</mosaic_0001>

<sc_bundles>
// kernel: kernel.3.cloned.1.call-start
scs
__scs_entry_jumppad:
0x0: {  	(pc) =	sbr.rel $0x88, $3  }
0x1: {  	(tag) =	ssettag $0x0;
	lr =	simm.s32 $0x1  }
0x2: {  	[smem:$0x3F9F] =	sst lr;
	_ =	strace $0xD0000000  }
0x3: {  	_ = 	snop  }
0x4: {  	_ = 	snop  }
0x5: {  	_ = 	snop  }
0x6: {  	_ = 	snop  }
0x7: {  	_ = 	snop  }
__scs_overlays_trampoline_lowered:
0x8: {  	[smem:$0x3FAE] =	sst s0  }
0x9: {  	[smem:$0x3FAF] =	sst s1  }
0xa: {  	[smem:$0x3FB0] =	sst s2  }
0xb: {  	[smem:$0x3FB1] =	sst s3  }
0xc: {  	[smem:$0x3FB2] =	sst s4  }
0xd: {  	[smem:$0x3FB3] =	sst s5  }
0xe: {  	[smem:$0x3FB4] =	sst s6  }
0xf: {  	[smem:$0x3FB5] =	sst s7  }
0x10: {  	[smem:$0x3FB6] =	sst s8  }
0x11: {  	[smem:$0x3FB7] =	sst s9;
	s0 =	simm.s32 @!p0 $0x0  }
0x12: {  	s1 =	sld [smem:$0x3F9D];
	s0 =	simm.s32 @p0 $0x1  }
0x13: {  	[smem:$0x3FB8] =	sst s0;
	s0 =	simm.s32 @!p1 $0x0  }
0x14: {  	s2 =	sld [smem:$0x3F9C];
	s0 =	simm.s32 @p1 $0x1  }
0x15: {  	[smem:$0x3FB9] =	sst s0;
	s0 =	simm.s32 @!p2 $0x0  }
0x16: {  	s3 =	sld [smem:$0x3FDB];
	s0 =	simm.s32 @p2 $0x1  }
0x17: {  	s4 =	simm.s32 $0x1BF5;
	[smem:$0x3FBB] =	sst s0  }
0x18: {  	s0 =	sld [smem:$0x3F9E];
	_ =	swait.ge [sflag:s4], $0x0  }
0x19: {  	s7 =	sld [smem:$0x3F9F]  }
0x1a: {  	s8 =	sadd.s32 $0xFFFFE003, lr  }
0x1b: {  	s9 =	sadd.s32 $0xFFFFFEF7, lr;
	s5 =	simm.s32 $0xFFFFFFFF;
	p2 =	slt.u32 s8, $0xFFFFF086  }
0x1c: {  	p1 =	slt.u32 s9, $0xF7A;
	s5 =	simm.s32 @!p2 $0x0  }
0x1d: {  	s5 =	simm.s32 @p1 $0x1;
	p0 =	seq.s32 s7, s2  }
0x1e: {  	s7 =	smul.u32 @!p0 $0xF7A, s2;
	p2 =	seq.s32 @!p0 s5, $0x0  }
0x1f: {  	s9 =	smul.u32 $0xF7A, s1;
	s8 =	simm.s32 @!p0 $0x1BF5;
	p2 =	por !p2, p0  }
0x20: {  	[sflag:s8] =	ssyncset.s32 @!p0 $0xFFFFF086;
	s6 =	sadd.s32 @!p0 s3, s7;
	s7 =	simm.s32 @!p0 $0x108  }
0x21: {  	s3 =	sadd.s32 s3, s9;
	s6 =	sadd.s32 @!p0 $0x88, s6;
	s7 =	simm.s32 @p2 $0x1082  }
0x22: {  	[simem:s7], [sflag:s8] =	dma.local @!p0 [hbm:s6], $0xF7A  }
0x23: {  	s9 =	sor.u32 $0xD0000000, s2;
	s6 =	simm.s32 $0x108;
	_ =	swait.ge @!p0 [sflag:s8], $0x0  }
0x24: {  	s3 =	sadd.s32 $0x88, s3;
	s6 =	simm.s32 @!p1 $0x1082;
	[sflag:s4] =	ssyncset.s32 $0xFFFFF086  }
0x25: {  	[simem:s6], [sflag:s4] =	dma.local [hbm:s3], $0xF7A  }
0x26: {  	[smem:$0x3F9F] =	sst s1;
	(tag) =	ssettag s2;
	_ =	strace s9  }
0x27: {  	s1 =	sld [smem:$0x3FAF]  }
0x28: {  	s2 =	sld [smem:$0x3FB0]  }
0x29: {  	s4 =	sld [smem:$0x3FB2]  }
0x2a: {  	p0 =	seq.s32 s5, $0x0;
	s5 =	sld [smem:$0x3FB3]  }
0x2b: {  	s6 =	sld [smem:$0x3FB4]  }
0x2c: {  	s7 =	sld [smem:$0x3FB5]  }
0x2d: {  	s3 =	simm.s32 $0x108;
	s8 =	sld [smem:$0x3FB6]  }
0x2e: {  	s3 =	simm.s32 @!p0 $0x1082;
	s9 =	sld [smem:$0x3FB7]  }
0x2f: {  	lr =	sadd.s32 s0, s3;
	s0 =	sld [smem:$0x3FAE]  }
0x30: {  	s3 =	sld [smem:$0x3FB1]  }
0x31: {  	[smem:$0x3FBA] =	sst s10  }
0x32: {  	s10 =	sld [smem:$0x3FB8];
	_ =	sdelay $0x3  }
0x33: {  	p0 =	seq.s32 s10, $0x1;
	s10 =	sld [smem:$0x3FBA];
	_ =	sdelay $0x3  }
0x34: {  	[smem:$0x3FBA] =	sst s10  }
0x35: {  	s10 =	sld [smem:$0x3FB9];
	_ =	sdelay $0x3  }
0x36: {  	p1 =	seq.s32 s10, $0x1;
	s10 =	sld [smem:$0x3FBA];
	_ =	sdelay $0x3  }
0x37: {  	[smem:$0x3FBA] =	sst s10  }
0x38: {  	s10 =	sld [smem:$0x3FBB]  }
0x39: {  	_ = 	snop;
	(pc) =	sbr.ind lr, $3  }
0x3a: {  	_ = 	snop  }
0x3b: {  	_ = 	snop  }
0x3c: {  	p2 =	seq.s32 s10, $0x1;
	s10 =	sld [smem:$0x3FBA]  }
0x3d: {  	_ =	shalt  }
0x3e: {  	_ =	shalt  }
0x3f: {  	_ =	shalt  }
0x40: {  	_ =	shalt  }
0x41: {  	_ =	shalt  }
0x42: {  	_ =	shalt  }
0x43: {  	_ =	shalt  }
0x44: {  	_ =	shalt  }
0x45: {  	_ =	shalt  }
0x46: {  	_ =	shalt  }
0x47: {  	_ =	shalt  }
0x48: {  	_ =	shalt  }
0x49: {  	_ =	shalt  }
0x4a: {  	_ =	shalt  }
0x4b: {  	_ =	shalt  }
0x4c: {  	_ =	shalt  }
0x4d: {  	_ =	shalt  }
0x4e: {  	_ =	shalt  }
0x4f: {  	_ =	shalt  }
0x50: {  	_ =	shalt  }
0x51: {  	_ =	shalt  }
0x52: {  	_ =	shalt  }
0x53: {  	_ =	shalt  }
0x54: {  	_ =	shalt  }
0x55: {  	_ =	shalt  }
0x56: {  	_ =	shalt  }
0x57: {  	_ =	shalt  }
0x58: {  	_ =	shalt  }
0x59: {  	_ =	shalt  }
0x5a: {  	_ =	shalt  }
0x5b: {  	_ =	shalt  }
0x5c: {  	_ =	shalt  }
0x5d: {  	_ =	shalt  }
0x5e: {  	_ =	shalt  }
0x5f: {  	_ =	shalt  }
0x60: {  	_ =	shalt  }
0x61: {  	_ =	shalt  }
0x62: {  	_ =	shalt  }
0x63: {  	_ =	shalt  }
0x64: {  	_ =	shalt  }
0x65: {  	_ =	shalt  }
0x66: {  	_ =	shalt  }
0x67: {  	_ =	shalt  }
0x68: {  	_ =	shalt  }
0x69: {  	_ =	shalt  }
0x6a: {  	_ =	shalt  }
0x6b: {  	_ =	shalt  }
0x6c: {  	_ =	shalt  }
0x6d: {  	_ =	shalt  }
0x6e: {  	_ =	shalt  }
0x6f: {  	_ =	shalt  }
0x70: {  	_ =	shalt  }
0x71: {  	_ =	shalt  }
0x72: {  	_ =	shalt  }
0x73: {  	_ =	shalt  }
0x74: {  	_ =	shalt  }
0x75: {  	_ =	shalt  }
0x76: {  	_ =	shalt  }
0x77: {  	_ =	shalt  }
0x78: {  	_ =	shalt  }
0x79: {  	_ =	shalt  }
0x7a: {  	_ =	shalt  }
0x7b: {  	_ =	shalt  }
0x7c: {  	_ =	shalt  }
0x7d: {  	_ =	shalt  }
0x7e: {  	_ =	shalt  }
0x7f: {  	_ =	shalt  }
0x80: {  	_ =	shalt  }
0x81: {  	_ =	shalt  }
0x82: {  	_ =	shalt  }
0x83: {  	_ =	shalt  }
0x84: {  	_ =	shalt  }
0x85: {  	_ =	shalt  }
0x86: {  	_ =	shalt  }
0x87: {  	_ =	shalt  }
.Lfunc_end0:
.L_simem_size_0:
called_computation_lowered:
.L_overlay_start_0:
0x88: {  	s2 =	sld [smem:$0x3FD9]  }
0x89: {  	s3 =	sld [smem:$0x3FFE];
	_ =	sdelay $0x1  }
0x8a: {  	s1 =	srdreg.scid  }
0x8b: {  	s0 =	sand.u32 $0x1, s1  }
0x8c: {  	s14 =	sshll.u32 s0, $0xA;
	s2 =	sadd.s32 s3, s2  }
0x8d: {  	s2 =	sadd.s32 s2, s14  }
0x8e: {  	[smem:$0x3FC6] =	sst s2  }
0x8f: {  	_ = 	snop  }
0x90: {  	s2 =	sld [smem:$0x3FD0];
	_ =	sdelay $0x2  }
0x91: {  	s15 =	simm.s32 $0xA;
	s4 =	simm.s32 $0x10  }
0x92: {  	[smem:s4], [sflag:s15] =	dma.local [hbm:s2], $0x1  }
0x93: {  	_ =	swait.eq [sflag:s15], $0x1  }
0x94: {  	s16 =	sld [smem:$0x11]  }
0x95: {  	s17 =	sld [smem:$0x12]  }
0x96: {  	s5 =	sld [smem:$0x13]  }
0x97: {  	s6 =	sld [smem:$0x14]  }
0x98: {  	s7 =	sld [smem:$0x15];
	[sflag:s15] =	ssyncset.done $0x0  }
0x99: {  	s8 =	sld [smem:$0x16];
	[sflag:s15] =	ssyncadd.s32 $0xFFFFFFFF  }
0x9a: {  	s18 =	sld [smem:$0x17];
	(tm) =	ssettm $0x1  }
0x9b: {  	s9 =	sld [smem:$0x3FFB];
	_ =	sdelay $0x3  }
0x9c: {  	_ =	strace s9  }
0x9d: {  	s9 =	sld [smem:$0x3FFC];
	_ =	sdelay $0x3  }
0x9e: {  	_ =	strace s9  }
0x9f: {  	s9 =	sld [smem:$0x3FFD];
	_ =	sdelay $0x3  }
0xa0: {  	_ =	strace s9  }
0xa1: {  	_ =	strace $0x8FFFFFFF  }
0xa2: {  	s19 =	sld [smem:$0x3FDB];
	_ =	sdelay $0x1  }
0xa3: {  	s10 =	simm.s32 $_scs_section_size  }
0xa4: {  	s11 =	simm.s32 $_size__tile_overlayer_lowered;
	s12 =	simm.s32 $_tile_overlayer_lowered  }
0xa5: {  	s22 =	simm.s32 $0x1BFF;
	s21 =	sshll.u32 s12, $0x1;
	s9 =	sadd.s32 s10, s19  }
0xa6: {  	s13 =	simm.s32 $0x0;
	s20 =	sshll.u32 s11, $0x1;
	s11 =	sadd.s32 s21, s9  }
0xa7: {  	[timem:s13], [sflag:s22] =	dma.local [hbm:s11], s20  }
0xa8: {  	_ =	swait.ge [sflag:s22], s20  }
0xa9: {  	s10 =	ssub.s32 $0x0, s20;
	[sflag:s22] =	ssyncset.done $0x0  }
0xaa: {  	[sflag:s22] =	ssyncadd.s32 s10;
	_ =	sdelay $0x1  }
0xab: {  	s23 =	simm.s32 $0x1B8B  }
0xac: {  	_ =	swait.ge [sflag:s23], $0x1  }
0xad: {  	[sflag:s23] =	ssyncset.done $0x0  }
0xae: {  	s25 =	simm.s32 $0x1B8E;
	s24 =	sld [smem:$0x3FFE];
	[sflag:s23] =	ssyncadd.s32 $0xFFFFFFFF  }
0xaf: {  	s26 =	simm.s32 $execute0_lowered;
	[smem:$0x3FD2] =	sst s25  }
0xb0: {  	s11 =	sshll.u32 s26, $0x1;
	_ =	strace $0x80000046;
	[dreg:$0x1] =	wrdreg $0xFFFFFFFF  }
0xb1: {  	s28 =	simm.s32 $_size_execute0_lowered;
	s9 =	sadd.s32 s9, s11;
	[dreg:$0x0] =	wrdreg $0x0  }
0xb2: {  	s11 =	sshll.u32 s28, $0x1;
	[dreg:$0x2] =	wrdreg s9  }
0xb3: {  	[dreg:$0x3] =	wrdreg s11  }
0xb4: {  	[dreg:$0x4] =	wrdreg $0xC0  }
0xb5: {  	_ =	task [dreg:s13], $0x5FFFF  }
0xb6: {  	[dreg:$0x1] =	wrdreg $0xFFFFFFFF  }
0xb7: {  	[dreg:$0x0] =	wrdreg $0x60  }
0xb8: {  	[dreg:$0x2] =	wrdreg s24  }
0xb9: {  	[dreg:$0x3] =	wrdreg s16  }
0xba: {  	[dreg:$0x4] =	wrdreg s5  }
0xbb: {  	[dreg:$0x5] =	wrdreg s7  }
0xbc: {  	[dreg:$0x6] =	wrdreg s17  }
0xbd: {  	[dreg:$0x7] =	wrdreg s6  }
0xbe: {  	[dreg:$0x8] =	wrdreg s8  }
0xbf: {  	[dreg:$0x9] =	wrdreg s18  }
0xc0: {  	[dreg:$0xa] =	wrdreg $0x9  }
0xc1: {  	_ =	task.clear_ibuf [dreg:s13], $0xBFFFF;
	_ =	strace $0x90000046  }
0xc2: {  	s29 =	simm.s32 $0x9;
	_ =	strace $0x80000048  }
0xc3: {  	_ =	swait.ge [sflag:s29], $0x1  }
0xc4: {  	[sflag:s29] =	ssyncadd.s32 $0xFFFFFFFF  }
0xc5: {  	_ =	strace $0x90000048  }
0xc6: {  	_ =	sfence  }
0xc7: {  	s30 =	sld [smem:$0x0];
	_ =	sdelay $0x2  }
0xc8: {  	s31 =	sshll.u32 s1, $0xD;
	s1 =	sshrl.u32 s1, $0x2  }
0xc9: {  	s3 =	sand.u32 $0x4000, s31;
	s1 =	sadd.s32 s1, s30  }
0xca: {  	s0 =	sor.u32 s3, s0;
	s1 =	sshll.u32 s1, $0x11  }
0xcb: {  	s0 =	sor.u32 s1, s0  }
0xcc: {  	s0 =	sadd.s32 $0x8F2B, s0  }
0xcd: {  	[sflag:s0] =	ssyncadd.remote.s32 $0x1  }
0xce: {  	_ =	sfence.sel $0xFFFF  }
0xcf: {  	[dreg:$0x0] =	wrdreg $0xFFFFFFFF;
	(pc) =	sbr.abs _section_cstart, $3  }
0xd0: {  	[dreg:$0x1] =	wrdreg $0xFFFFFFFF  }
0xd1: {  	_ =	task.clear_ibuf [dreg:s13], $0x2FFFF;
	_ =	strace $0x9FFFFFFF  }
0xd2: {  	(tm) =	ssettm $0x7FFFFFFF  }
0xd3: {  	_ =	shalt  }
tec
execute0_lowered:
.L_overlay_start_1:
0x0: {  	(tag) =	ssettag $0x1  }
0x1: {  	s0 =	rddreg [dreg:$0x0]  }
0x2: {  	s1 =	rddreg [dreg:$0x1]  }
0x3: {  	s2 =	rddreg [dreg:$0x2]  }
0x4: {  	s3 =	rddreg [dreg:$0x3]  }
0x5: {  	s4 =	rddreg [dreg:$0x4];
	s14 =	stileid.u32  }
0x6: {  	s5 =	rddreg [dreg:$0x5];
	s24 =	smul.u32 $0x4E20, s14  }
0x7: {  	s6 =	srdreg.scid;
	s29 =	smul.u32 $0x280, s14  }
0x8: {  	s15 =	simm.s32 $0x0;
	s6 =	sand.u32 $0x1, s6;
	s31 =	smul.u32 $0x9C40, s14  }
0x9: {  	s7 =	sshll.u32 s14, $0x1;
	[smem:$0x7FF] =	sst s15;
	s26 =	smul.u32 $0x2710, s6  }
0xa: {  	s25 =	sadd.s32 $0x4D8, s4;
	s28 =	sadd.s32 $0x4D8, s5;
	s30 =	smul.u32 $0x140, s6  }
0xb: {  	s7 =	sor.u32 s6, s7;
	s9 =	ssub.s32 $0x2, s6;
	s6 =	smul.u32 $0x4E20, s6  }
0xc: {  	_ =	strace $0x80000047;
	[dreg:$0xe] =	wrdreg s25;
	s8 =	smul.u32 $0x4E20, s7  }
0xd: {  	[dreg:$0xf] =	wrdreg s28;
	s25 =	simm.s32 $0x3;
	s10 =	smul.u32 $0x2710, s7  }
0xe: {  	s11 =	sshrl.u32 s9, $0x1;
	s12 =	smul.u32 $0x140, s7;
	p0 =	seq.s32 s7, $0x1F  }
0xf: {  	s13 =	ssub.s32 s9, s11;
	p1 =	seq.s32 @!p0 s7, $0x0;
	s8 =	sshrl.u32 s8, $0x3  }
0x10: {  	s19 =	sshrl.u32 s10, $0x3;
	s21 =	sshrl.u32 s12, $0x3;
	s13 =	smax.u32 s13, $0x1  }
0x11: {  	p2 =	por p1, p0;
	s0 =	sadd.s32 s8, s0;
	s20 =	sadd.s32 s2, s19  }
0x12: {  	s22 =	sadd.s32 s3, s19;
	s23 =	sadd.s32 s4, s21;
	[dreg:$0xa] =	wrdreg s20  }
0x13: {  	s1 =	sadd.s32 s1, s8;
	s19 =	sadd.s32 s30, s29;
	[dreg:$0xb] =	wrdreg s22  }
0x14: {  	p2 =	seq.s32 @!p2 s7, $0x1;
	s0 =	sadd.s32 $0x1000, s0;
	[dreg:$0xc] =	wrdreg s23  }
0x15: {  	[dreg:$0x10] =	wrdreg s1;
	s20 =	sadd.s32 s6, s31;
	p2 =	por @!p0 !p2, p1  }
0x16: {  	p1 =	por !p1, p0;
	[dreg:$0x9] =	wrdreg s0;
	s0 =	sadd.s32 s5, s21  }
0x17: {  	s23 =	simm.s32 $0x1;
	[dreg:$0xd] =	wrdreg s0;
	s0 =	sadd.s32 s26, s24  }
0x18: {  	p2 =	por p2, p0;
	s26 =	simm.s32 $0x0;
	s2 =	sadd.s32 $0x40, s0  }
0x19: {  	v0 =	vlaneseq.u32;
	v1 =	vimm.s32 $0x0;
	s3 =	sadd.s32 $0x10, s0;
	s21 =	sadd.s32 $0x30, s0;
	s22 =	sadd.s32 $0x20, s0  }
.LBB2_1:
0x1a: {  	s4 =	smulhi.u32 $0x51EB851F, s0  }
0x1b: {  	s31 =	smulhi.u32 $0x51EB851F, s2  }
0x1c: {  	s6 =	smulhi.u32 $0x51EB851F, s3  }
0x1d: {  	s7 =	smulhi.u32 $0x51EB851F, s21  }
0x1e: {  	s1 =	rddreg [dreg:$0x9];
	s17 =	sadd.s32 $0x0, s0;
	s8 =	smulhi.u32 $0x51EB851F, s22  }
0x1f: {  	[tilespmem:s15], [sflag:$0x1] =	stream.linear.gather [hbm4b:s1+s15], $0x4E20, $0x38;
	[tilespmem:$0xED50] =	vst v63  }
0x20: {  	s5 =	smulhi.u32 $0x51EB851F, s17;
	s14 =	sadd.s32 $0x10, s17  }
0x21: {  	s18 =	sadd.s32 $0x20, s17;
	s14 =	smulhi.u32 $0x51EB851F, s14  }
0x22: {  	s28 =	simm.s32 $0x9C60;
	s24 =	sadd.s32 $0x30, s17;
	s15 =	smulhi.u32 $0x51EB851F, s18  }
0x23: {  	s29 =	simm.s32 $0xC370;
	s4 =	sshrl.u32 s4, $0xA;
	s24 =	smulhi.u32 $0x51EB851F, s24  }
0x24: {  	s30 =	simm.s32 $0x0;
	s6 =	sshrl.u32 s6, $0xA;
	s16 =	smul.u32 $0xC80, s4  }
0x25: {  	s12 =	sshrl.u32 s8, $0xA;
	s4 =	sadd.s32 $0x40, s17;
	s9 =	smul.u32 $0xC80, s6  }
0x26: {  	s11 =	sshrl.u32 s5, $0xA;
	s5 =	sshrl.u32 s7, $0xA;
	s6 =	smul.u32 $0xC80, s12  }
0x27: {  	s18 =	sshrl.u32 s14, $0xA;
	s7 =	sshrl.u32 s15, $0xA;
	s10 =	ssub.s32 s0, s16  }
0x28: {  	v2 =	vmov s11;
	s14 =	smov.u32 s0;
	s1 =	ssub.s32 s3, s9;
	s17 =	sadd.s32 $0x0, s10  }
0x29: {  	s15 =	smov.u32 s2;
	[tilespmem:s28+$0xFFFFFFE0] =	vst v2;
	s16 =	smov.u32 s3;
	s8 =	sadd.s32 $0x0, s1;
	v2 =	vor.u32 s17, v0  }
0x2a: {  	s1 =	simm.s32 $0x50;
	s17 =	smov.u32 s21;
	[tilespmem:s29+$0xFFFFFFE0] =	vst v2;
	v2 =	vmov s18;
	s18 =	smov.u32 s22  }
.LBB2_2:
0x2b: {  	p3 =	sne.s32 s1, $0x26C0;
	s5 =	smul.u32 $0xC80, s5  }
0x2c: {  	s6 =	ssub.s32 s22, s6;
	[tilespmem:s28+$0xFFFFFFF0] =	vst v2;
	v2 =	vor.u32 s8, v0;
	s8 =	sshrl.u32 s31, $0xA;
	s4 =	smulhi.u32 $0x51EB851F, s4  }
0x2d: {  	s14 =	sadd.s32 $0x50, s14;
	s15 =	sadd.s32 $0x50, s15;
	[tilespmem:s29+$0xFFFFFFF0] =	vst v2;
	v2 =	vmov s7;
	s6 =	sadd.s32 s6, s30  }
0x2e: {  	s7 =	smul.u32 $0xC80, s8;
	s5 =	ssub.s32 s21, s5;
	[tilespmem:s28+$0x0] =	vst v2;
	v2 =	vor.u32 s6, v0;
	s6 =	sshrl.u32 s24, $0xA  }
0x2f: {  	s8 =	sadd.s32 s1, s0;
	s31 =	smulhi.u32 $0x51EB851F, s15;
	[tilespmem:s29+$0x0] =	vst v2;
	v2 =	vmov s6;
	s5 =	sadd.s32 s5, s30  }
0x30: {  	s4 =	sshrl.u32 s4, $0xA;
	s6 =	smulhi.u32 $0x51EB851F, s8;
	s7 =	ssub.s32 s2, s7;
	[tilespmem:s28+$0x10] =	vst v2;
	v2 =	vor.u32 s5, v0  }
0x31: {  	s18 =	sadd.s32 $0x50, s18;
	s5 =	smulhi.u32 $0x51EB851F, s14;
	[tilespmem:s29+$0x10] =	vst v2;
	v2 =	vmov s4;
	s4 =	sadd.s32 s7, s30  }
0x32: {  	s16 =	sadd.s32 $0x50, s16;
	s9 =	smulhi.u32 $0x51EB851F, s18;
	s30 =	smov.u32 s1;
	[tilespmem:s28+$0x20] =	vst v2;
	v2 =	vor.u32 s4, v0  }
0x33: {  	s17 =	sadd.s32 $0x50, s17;
	s4 =	smulhi.u32 $0x51EB851F, s16;
	[tilespmem:s29+$0x20] =	vst v2  }
0x34: {  	s24 =	sadd.s32 $0x10, s8;
	s7 =	smulhi.u32 $0x51EB851F, s17  }
0x35: {  	s10 =	smulhi.u32 $0x51EB851F, s24;
	s24 =	sadd.s32 $0x20, s8  }
0x36: {  	s11 =	smulhi.u32 $0x51EB851F, s24;
	s24 =	sadd.s32 $0x30, s8  }
0x37: {  	s24 =	smulhi.u32 $0x51EB851F, s24;
	s5 =	sshrl.u32 s5, $0xA;
	s28 =	sadd.s32 $0x50, s28  }
0x38: {  	s5 =	smul.u32 $0xC80, s5;
	s29 =	sadd.s32 $0x50, s29  }
.Ltmp0:
0x39: {  	s12 =	sshrl.u32 s4, $0xA;
	s4 =	sadd.s32 $0x40, s8;
	(pc) =	sbr.rel @p3 .LBB2_2-.Ltmp0, $4  }
0x3a: {  	s6 =	sshrl.u32 s6, $0xA;
	s8 =	ssub.s32 s0, s5;
	s12 =	smul.u32 $0xC80, s12  }
0x3b: {  	v2 =	vmov s6;
	s5 =	sshrl.u32 s7, $0xA;
	s7 =	sshrl.u32 s9, $0xA;
	s8 =	sadd.s32 s8, s1  }
0x3c: {  	s6 =	smul.u32 $0xC80, s7;
	s7 =	sshrl.u32 s10, $0xA;
	s9 =	ssub.s32 s3, s12;
	[tilespmem:s28+$0xFFFFFFE0] =	vst v2;
	v2 =	vor.u32 s8, v0  }
0x3d: {  	s1 =	sadd.s32 $0x50, s1;
	s8 =	sadd.s32 s9, s30;
	[tilespmem:s29+$0xFFFFFFE0] =	vst v2;
	v2 =	vmov s7;
	s7 =	sshrl.u32 s11, $0xA  }
0x3e: {  	[tilespmem:s28+$0xFFFFFFF0] =	vst v2;
	v2 =	vor.u32 s8, v0  }
0x3f: {  	s1 =	smul.u32 $0xC80, s5;
	s14 =	ssub.s32 s22, s6;
	[tilespmem:s29+$0xFFFFFFF0] =	vst v2;
	v2 =	vmov s7  }
0x40: {  	s15 =	sshrl.u32 s31, $0xA;
	s4 =	smulhi.u32 $0x51EB851F, s4;
	s5 =	sadd.s32 s14, s30;
	[tilespmem:s28+$0x0] =	vst v2;
	v2 =	vor.u32 s19, v0  }
0x41: {  	s16 =	sshrl.u32 s24, $0xA;
	s6 =	smul.u32 $0xC80, s15;
	s1 =	ssub.s32 s21, s1;
	v3 =	vor.u32 s5, v0;
	v4 =	vmulhi.u32 $0x51EB851F, v2  }
0x42: {  	[tilespmem:s29+$0x0] =	vst v3;
	v3 =	vmov s16;
	s1 =	sadd.s32 s1, s30  }
0x43: {  	s18 =	sshrl.u32 s4, $0xA;
	s17 =	ssub.s32 s2, s6;
	[tilespmem:s28+$0x10] =	vst v3;
	v3 =	vor.u32 s1, v0;
	v4 =	vshrl.u32 v4, $0x5  }
0x44: {  	s24 =	sadd.s32 s17, s30;
	[tilespmem:s29+$0x10] =	vst v3;
	v3 =	vmov s18;
	v5 =	vmul.u32 $0xFFFFFF9C, v4  }
0x45: {  	v6 =	vmov s19;
	s14 =	sadd.s32 $0x10, s19;
	v7 =	vsub.s32 $0x0, v2;
	[tilespmem:s28+$0x20] =	vst v3;
	v3 =	vor.u32 s24, v0  }
0x46: {  	s31 =	simm.s32 $0xC350;
	vm0 =	veq.s32 v6, v0;
	s4 =	simm.s32 $0x40;
	[tilespmem:s29+$0x20] =	vst v3;
	v3 =	vor.u32 s14, v0;
	vm1 =	vne.s32 v5, v7  }
0x47: {  	s1 =	simm.s32 $0x0;
	s28 =	rddreg [dreg:$0xa];
	s29 =	simm.s32 $0x9C40;
	v5 =	vmulhi.u32 $0x51EB851F, v3;
	vm0 =	vmand vm0, vm1  }
0x48: {  	[hbm4b:s28+s1] =	stream.linear.scatter [tilespmem:s29], [sflag:$0x3], $0x2710, $0x38;
	v6 =	vsel vm0, $0xFFFFFFFF, v1;
	[tilespmem:$0xED50] =	vst v63  }
0x49: {  	s5 =	simm.s32 $0x80;
	s15 =	sadd.s32 $0x10, s14;
	s30 =	rddreg [dreg:$0xb];
	v5 =	vshrl.u32 v5, $0x5;
	v4 =	vadd.s32 v6, v4  }
0x4a: {  	[hbm4b:s30+s1] =	stream.linear.scatter [tilespmem:s31], [sflag:$0x3], $0x2710, $0x38;
	v7 =	vmul.u32 $0xFFFFFF9C, v5;
	v6 =	vmul.u32 $0xFFFFFF9C, v4;
	[tilespmem:$0xED50] =	vst v63  }
.LBB2_4:
0x4b: {  	v8 =	vor.u32 s15, v0;
	v9 =	vmov s14;
	v10 =	vsub.s32 $0x0, v3;
	s6 =	smov.u32 s5;
	s14 =	smov.u32 s15;
	p3 =	sne.s32 s5, $0x4C0  }
.Ltmp1:
0x4c: {  	s5 =	sadd.s32 $0x40, s5;
	s7 =	sshra.s32 s1, $0x2;
	vm0 =	veq.s32 v9, v0;
	vm1 =	vne.s32 v7, v10;
	v7 =	vadd.s32 v2, v6;
	(pc) =	sbr.rel @p3 .LBB2_4-.Ltmp1, $4  }
0x4d: {  	s1 =	smov.u32 s4;
	v6 =	vmulhi.u32 $0x51EB851F, v8;
	v2 =	vmovc v3;
	v3 =	vmov v8;
	s4 =	smov.u32 s6;
	vm0 =	vmand vm0, vm1;
	[tilespmem:s7+$0xEBA0] =	vst v7  }
0x4e: {  	v7 =	vsel vm0, $0xFFFFFFFF, v1;
	[tilespmem:s7+$0xEA60] =	vst v4  }
0x4f: {  	v4 =	vadd.s32 v7, v5;
	v5 =	vshrl.u32 v6, $0x5  }
0x50: {  	s15 =	sadd.s32 $0x10, s15;
	v7 =	vmul.u32 $0xFFFFFF9C, v5;
	v6 =	vmul.u32 $0xFFFFFF9C, v4  }
0x51: {  	v8 =	vmov s14;
	v9 =	vsub.s32 $0x0, v3  }
0x52: {  	vm0 =	veq.s32 v8, v0;
	vm1 =	vne.s32 v7, v9  }
0x53: {  	vm0 =	vmand vm0, vm1  }
0x54: {  	v62 =	vsel vm0, $0xFFFFFFFF, v1  }
0x55: {  	s1 =	sshra.s32 s1, $0x2;
	v5 =	vadd.s32 v62, v5  }
0x56: {  	v2 =	vadd.s32 v2, v6;
	[tilespmem:s1+$0xEA60] =	vst v4;
	v63 =	vmul.u32 $0xFFFFFF9C, v5  }
0x57: {  	s14 =	sshra.s32 s4, $0x2;
	[tilespmem:s1+$0xEBA0] =	vst v2  }
0x58: {  	[tilespmem:s14+$0xEA60] =	vst v5;
	v2 =	vadd.s32 v3, v63  }
0x59: {  	s4 =	simm.s32 @p0 $0xEA60;
	s5 =	rddreg [dreg:$0xe];
	s1 =	simm.s32 @p0 $0x0;
	[tilespmem:s14+$0xEBA0] =	vst v2  }
0x5a: {  	[hbm4b:s5+s1] =	stream.linear.scatter @p0 [tilespmem:s4], [sflag:$0x2], $0x50, $0x38;
	[tilespmem:$0xED50] =	vst v63  }
0x5b: {  	s4 =	simm.s32 @p0 $0xEBA0;
	s5 =	rddreg [dreg:$0xf]  }
0x5c: {  	[hbm4b:s5+s1] =	stream.linear.scatter @p0 [tilespmem:s4], [sflag:$0x2], $0x50, $0x38;
	[tilespmem:$0xED50] =	vst v63  }
0x5d: {  	s1 =	simm.s32 @p0 $0x2  }
0x5e: {  	_ =	swait.ge @p0 [sflag:s1], $0x50  }
0x5f: {  	[sflag:s1] =	ssyncset.done @p0 $0x0  }
0x60: {  	[sflag:s1] =	ssyncadd.s32 @p0 $0xFFFFFFB0  }
0x61: {  	_ =	swait.ge @p0 [sflag:s1], $0x50  }
0x62: {  	s4 =	simm.s32 @!p0 $0xEA60;
	[sflag:s1] =	ssyncset.done @p0 $0x0  }
0x63: {  	s5 =	rddreg [dreg:$0xc];
	[sflag:s1] =	ssyncadd.s32 @p0 $0xFFFFFFB0;
	s1 =	simm.s32 @!p0 $0x0  }
0x64: {  	[hbm4b:s5+s1] =	stream.linear.scatter @!p0 [tilespmem:s4], [sflag:$0x2], $0x140, $0x38;
	[tilespmem:$0xED50] =	vst v63  }
0x65: {  	s4 =	simm.s32 @!p0 $0xEBA0;
	s5 =	rddreg [dreg:$0xd]  }
0x66: {  	[hbm4b:s5+s1] =	stream.linear.scatter @!p0 [tilespmem:s4], [sflag:$0x2], $0x140, $0x38;
	[tilespmem:$0xED50] =	vst v63  }
0x67: {  	s1 =	simm.s32 @!p0 $0x2  }
0x68: {  	_ =	swait.ge @!p0 [sflag:s1], $0x140  }
0x69: {  	[sflag:s1] =	ssyncset.done @!p0 $0x0  }
0x6a: {  	[sflag:s1] =	ssyncadd.s32 @!p0 $0xFFFFFEC0  }
0x6b: {  	_ =	swait.ge @!p0 [sflag:s1], $0x140  }
0x6c: {  	[sflag:s1] =	ssyncset.done @!p0 $0x0  }
0x6d: {  	v2 =	vimm.s32 @!p1 $0x64;
	[sflag:s1] =	ssyncadd.s32 @!p0 $0xFFFFFEC0  }
0x6e: {  	[tilespmem:$0xECE0] =	vst @!p1 v2  }
0x6f: {  	[tilespmem:$0xECF0] =	vst @!p1 v2  }
0x70: {  	[tilespmem:$0xED00] =	vst @!p1 v2  }
0x71: {  	[tilespmem:$0xED10] =	vst @!p1 v2  }
0x72: {  	[tilespmem:$0xED20] =	vst @!p1 v2  }
0x73: {  	[tilespmem:$0xED30] =	vst @!p1 v2  }
0x74: {  	s4 =	simm.s32 @!p1 $0xECE0;
	s1 =	simm.s32 @!p1 $0x0;
	[tilespmem:$0xED40] =	vst @!p1 v2;
	s5 =	rddreg [dreg:$0x6]  }
0x75: {  	[hbm4b:s5+s1] =	stream.linear.scatter @!p1 [tilespmem:s4], [sflag:$0x2], $0x64, $0x38;
	[tilespmem:$0xED50] =	vst v63  }
0x76: {  	s1 =	simm.s32 @!p1 $0x2  }
0x77: {  	_ =	swait.ge @!p1 [sflag:s1], $0x64  }
0x78: {  	[sflag:s1] =	ssyncset.done @!p1 $0x0  }
0x79: {  	v2 =	vimm.s32 @!p2 $0xC80;
	[sflag:s1] =	ssyncadd.s32 @!p1 $0xFFFFFF9C  }
0x7a: {  	[tilespmem:$0xECE0] =	vst @!p2 v2  }
0x7b: {  	[tilespmem:$0xECF0] =	vst @!p2 v2  }
0x7c: {  	[tilespmem:$0xED00] =	vst @!p2 v2  }
0x7d: {  	[tilespmem:$0xED10] =	vst @!p2 v2  }
0x7e: {  	[tilespmem:$0xED20] =	vst @!p2 v2  }
0x7f: {  	[tilespmem:$0xED30] =	vst @!p2 v2  }
0x80: {  	s4 =	simm.s32 @!p2 $0xECE0;
	s1 =	simm.s32 @!p2 $0x0;
	[tilespmem:$0xED40] =	vst @!p2 v2;
	s5 =	rddreg [dreg:$0x7]  }
0x81: {  	[hbm4b:s5+s1] =	stream.linear.scatter @!p2 [tilespmem:s4], [sflag:$0x2], $0x64, $0x38;
	[tilespmem:$0xED50] =	vst v63  }
0x82: {  	s1 =	simm.s32 @!p2 $0x2  }
0x83: {  	_ =	swait.ge @!p2 [sflag:s1], $0x64  }
0x84: {  	[sflag:s1] =	ssyncset.done @!p2 $0x0  }
0x85: {  	[sflag:s1] =	ssyncadd.s32 @!p2 $0xFFFFFF9C  }
0x86: {  	_ =	swait.ge [sflag:s23], $0x4E20  }
0x87: {  	[sflag:s23] =	ssyncset.done $0x0  }
0x88: {  	s15 =	simm.s32 $0x20;
	s16 =	sadd.s32 $0x0, s20;
	[sflag:s23] =	ssyncadd.s32 $0xFFFFB1E0  }
0x89: {  	s17 =	smulhi.u32 $0x51EB851F, s16;
	v2 =	vld [tilespmem:s15+$0xFFFFFFE0];
	_ =	sdelay $0x1  }
0x8a: {  	s5 =	sshrl.u32 s17, $0xB  }
0x8b: {  	s5 =	smul.u32 $0x64, s5;
	_ =	sdelay $0x1  }
0x8c: {  	s28 =	simm.s32 $0x4E40;
	v2 =	vadd.s32 s5, v2  }
0x8d: {  	s18 =	sadd.s32 $0x10, s16;
	[tilespmem:s28+$0xFFFFFFE0] =	vst v2  }
0x8e: {  	s5 =	smulhi.u32 $0x51EB851F, s18;
	v2 =	vld [tilespmem:s15+$0xFFFFFFF0];
	_ =	sdelay $0x1  }
0x8f: {  	s5 =	sshrl.u32 s5, $0xB  }
0x90: {  	s5 =	smul.u32 $0x64, s5;
	_ =	sdelay $0x1  }
0x91: {  	v2 =	vadd.s32 s5, v2  }
0x92: {  	s24 =	sadd.s32 $0x20, s16;
	[tilespmem:s28+$0xFFFFFFF0] =	vst v2  }
0x93: {  	s5 =	smulhi.u32 $0x51EB851F, s24;
	v2 =	vld [tilespmem:s15+$0x0];
	_ =	sdelay $0x1  }
0x94: {  	s5 =	sshrl.u32 s5, $0xB  }
0x95: {  	s5 =	smul.u32 $0x64, s5;
	_ =	sdelay $0x1  }
0x96: {  	v2 =	vadd.s32 s5, v2  }
0x97: {  	s30 =	sadd.s32 $0x30, s16;
	[tilespmem:s28+$0x0] =	vst v2  }
0x98: {  	s5 =	smulhi.u32 $0x51EB851F, s30;
	v2 =	vld [tilespmem:s15+$0x10];
	_ =	sdelay $0x1  }
0x99: {  	s5 =	sshrl.u32 s5, $0xB  }
0x9a: {  	s5 =	smul.u32 $0x64, s5;
	_ =	sdelay $0x1  }
0x9b: {  	v2 =	vadd.s32 s5, v2  }
0x9c: {  	s4 =	sadd.s32 $0x40, s16;
	[tilespmem:s28+$0x10] =	vst v2  }
0x9d: {  	s4 =	smulhi.u32 $0x51EB851F, s4;
	v2 =	vld [tilespmem:s15+$0x20];
	_ =	sdelay $0x1  }
0x9e: {  	s31 =	sshrl.u32 s4, $0xB  }
0x9f: {  	s1 =	smul.u32 $0x64, s31;
	_ =	sdelay $0x1  }
0xa0: {  	v2 =	vadd.s32 s1, v2  }
0xa1: {  	s29 =	simm.s32 $0x70;
	s14 =	simm.s32 $0xA0;
	s1 =	sadd.s32 $0x50, s20;
	[tilespmem:s28+$0x20] =	vst v2  }
.LBB2_6:
0xa2: {  	p3 =	sne.s32 s14, $0x4DD0;
	s4 =	smulhi.u32 $0x51EB851F, s1;
	v2 =	vld [tilespmem:s29+$0xFFFFFFE0];
	_ =	sdelay $0x1  }
0xa3: {  	s4 =	sshrl.u32 s4, $0xB  }
0xa4: {  	s4 =	smul.u32 $0x64, s4;
	_ =	sdelay $0x1  }
0xa5: {  	s28 =	sadd.s32 $0x50, s28;
	v2 =	vadd.s32 s4, v2  }
0xa6: {  	s4 =	sadd.s32 $0x10, s1;
	[tilespmem:s28+$0xFFFFFFE0] =	vst v2  }
0xa7: {  	s4 =	smulhi.u32 $0x51EB851F, s4;
	v2 =	vld [tilespmem:s29+$0xFFFFFFF0];
	_ =	sdelay $0x1  }
0xa8: {  	s4 =	sshrl.u32 s4, $0xB  }
0xa9: {  	s4 =	smul.u32 $0x64, s4;
	_ =	sdelay $0x1  }
0xaa: {  	v2 =	vadd.s32 s4, v2  }
0xab: {  	s4 =	sadd.s32 $0x20, s1;
	[tilespmem:s28+$0xFFFFFFF0] =	vst v2  }
0xac: {  	s4 =	smulhi.u32 $0x51EB851F, s4;
	v2 =	vld [tilespmem:s29+$0x0];
	_ =	sdelay $0x1  }
0xad: {  	s4 =	sshrl.u32 s4, $0xB  }
0xae: {  	s4 =	smul.u32 $0x64, s4;
	_ =	sdelay $0x1  }
0xaf: {  	v2 =	vadd.s32 s4, v2  }
0xb0: {  	s4 =	sadd.s32 $0x30, s1;
	[tilespmem:s28+$0x0] =	vst v2  }
0xb1: {  	s4 =	smulhi.u32 $0x51EB851F, s4;
	v2 =	vld [tilespmem:s29+$0x10];
	_ =	sdelay $0x1  }
0xb2: {  	s4 =	sshrl.u32 s4, $0xB  }
0xb3: {  	s4 =	smul.u32 $0x64, s4;
	_ =	sdelay $0x1  }
0xb4: {  	v2 =	vadd.s32 s4, v2  }
0xb5: {  	s1 =	sadd.s32 $0x40, s1;
	[tilespmem:s28+$0x10] =	vst v2  }
0xb6: {  	s1 =	smulhi.u32 $0x51EB851F, s1;
	v2 =	vld [tilespmem:s29+$0x20];
	_ =	sdelay $0x1  }
.Ltmp2:
0xb7: {  	s1 =	sshrl.u32 s1, $0xB;
	(pc) =	sbr.rel @p3 .LBB2_6-.Ltmp2, $3  }
0xb8: {  	s1 =	smul.u32 $0x64, s1;
	_ =	sdelay $0x1  }
0xb9: {  	v2 =	vadd.s32 s1, v2  }
0xba: {  	s29 =	sadd.s32 $0x50, s29;
	s1 =	sadd.s32 s14, s20;
	s14 =	sadd.s32 $0x50, s14;
	[tilespmem:s28+$0x20] =	vst v2  }
0xbb: {  	s4 =	smulhi.u32 $0x51EB851F, s1;
	v2 =	vld [tilespmem:s29+$0xFFFFFFE0];
	_ =	sdelay $0x1  }
0xbc: {  	s4 =	sshrl.u32 s4, $0xB  }
0xbd: {  	s4 =	smul.u32 $0x64, s4;
	_ =	sdelay $0x1  }
0xbe: {  	s17 =	sadd.s32 $0x50, s28;
	v2 =	vadd.s32 s4, v2  }
0xbf: {  	s5 =	sadd.s32 $0x10, s1;
	[tilespmem:s17+$0xFFFFFFE0] =	vst v2  }
0xc0: {  	s5 =	smulhi.u32 $0x51EB851F, s5;
	v2 =	vld [tilespmem:s29+$0xFFFFFFF0];
	_ =	sdelay $0x1  }
0xc1: {  	s5 =	sshrl.u32 s5, $0xB  }
0xc2: {  	s5 =	smul.u32 $0x64, s5;
	_ =	sdelay $0x1  }
0xc3: {  	v2 =	vadd.s32 s5, v2  }
0xc4: {  	s18 =	sadd.s32 $0x20, s1;
	[tilespmem:s17+$0xFFFFFFF0] =	vst v2  }
0xc5: {  	s5 =	smulhi.u32 $0x51EB851F, s18;
	v2 =	vld [tilespmem:s29+$0x0];
	_ =	sdelay $0x1  }
0xc6: {  	s5 =	sshrl.u32 s5, $0xB  }
0xc7: {  	s5 =	smul.u32 $0x64, s5;
	_ =	sdelay $0x1  }
0xc8: {  	v2 =	vadd.s32 s5, v2  }
0xc9: {  	s24 =	sadd.s32 $0x30, s1;
	[tilespmem:s17+$0x0] =	vst v2  }
0xca: {  	s5 =	smulhi.u32 $0x51EB851F, s24;
	v2 =	vld [tilespmem:s29+$0x10];
	_ =	sdelay $0x1  }
0xcb: {  	s5 =	sshrl.u32 s5, $0xB  }
0xcc: {  	s5 =	smul.u32 $0x64, s5;
	_ =	sdelay $0x1  }
0xcd: {  	v2 =	vadd.s32 s5, v2  }
0xce: {  	s28 =	sadd.s32 $0x40, s1;
	[tilespmem:s17+$0x10] =	vst v2  }
0xcf: {  	s1 =	smulhi.u32 $0x51EB851F, s28;
	v2 =	vld [tilespmem:s29+$0x20];
	_ =	sdelay $0x1  }
0xd0: {  	s1 =	sshrl.u32 s1, $0xB  }
0xd1: {  	s1 =	smul.u32 $0x64, s1;
	_ =	sdelay $0x1  }
0xd2: {  	v2 =	vadd.s32 s1, v2  }
0xd3: {  	s15 =	simm.s32 $0x0;
	s30 =	rddreg [dreg:$0x10];
	s31 =	simm.s32 $0x4E20;
	[tilespmem:s17+$0x20] =	vst v2  }
0xd4: {  	[hbm4b:s30+s15] =	stream.linear.scatter [tilespmem:s31], [sflag:$0x3], $0x4E20, $0x38;
	[tilespmem:$0xED50] =	vst v63  }
0xd5: {  	_ =	swait.ge [sflag:s25], $0x2710  }
0xd6: {  	[sflag:s25] =	ssyncset.done $0x0  }
0xd7: {  	s26 =	sadd.s32 $0x1, s26;
	[sflag:s25] =	ssyncadd.s32 $0xFFFFD8F0  }
0xd8: {  	p3 =	sne.s32 s26, s13;
	_ =	swait.ge [sflag:s25], $0x2710  }
.Ltmp3:
0xd9: {  	[sflag:s25] =	ssyncset.done $0x0;
	(pc) =	sbr.rel @p3 .LBB2_1-.Ltmp3, $4  }
0xda: {  	[sflag:s25] =	ssyncadd.s32 $0xFFFFD8F0  }
0xdb: {  	_ =	swait.ge [sflag:s25], $0x4E20  }
0xdc: {  	[sflag:s25] =	ssyncset.done $0x0  }
0xdd: {  	[sflag:s25] =	ssyncadd.s32 $0xFFFFB1E0  }
0xde: {  	_ =	sfence.sel $0x180000  }
0xdf: {  	[bflag:$0x0] =	sbarrier.arrive $0xFFFF  }
0xe0: {  	_ =	strace $0x90000047  }
0xe1: {  	s0 =	stileid.u32;
	[bflag:$0x2] =	sbarrier.arrive $0xFFFF  }
0xe2: {  	p0 =	sne.s32 s0, $0x0;
	s0 =	rddreg [dreg:$0x8]  }
0xe3: {  	s0 =	sadd.s32 @!p0 $0x100000, s0  }
0xe4: {  	[sflag:s0] =	ssyncadd.tile.s32 @!p0 $0x1;
	_ =	shalt  }
.Lfunc_end2:
_tile_overlayer_lowered:
.L_overlay_start_2:
0xe5: {  	(tag) =	ssettag $0x2  }
0xe6: {  	s0 =	rddreg [dreg:$0x0];
	s2 =	stileid.u32  }
0xe7: {  	s1 =	rddreg [dreg:$0x1];
	p0 =	sne.s32 s2, $0x0  }
0xe8: {  	s3 =	rddreg [dreg:$0x2];
	[bflag:$0x3] =	sbarrier.arrive $0xFFFF;
	s2 =	simm.s32 @!p0 $0x1C04  }
0xe9: {  	[timem:s3], [sflag:s2] =	dma.local @!p0 [hbm:s0], s1  }
0xea: {  	s0 =	simm.s32 @!p0 $0x4  }
0xeb: {  	_ =	swait.ge @!p0 [sflag:s0], s1  }
0xec: {  	s1 =	ssub.s32 @!p0 $0x0, s1;
	[sflag:s0] =	ssyncset.done @!p0 $0x0  }
0xed: {  	[sflag:s0] =	ssyncadd.s32 @!p0 s1  }
0xee: {  	[bflag:$0x3] =	sbarrier.arrive $0xFFFF  }
0xef: {  	_ =	shalt  }

</sc_bundles>
